<compile_context>
chip_gen: v7x
topology: tpu7x:2x2x1
jax: 0.10.2.dev20260603
libtpu: 0.0.44.dev20260713+nightly
codegen_flags: <defaults>
</compile_context>

<pallas_src>
import functools

import jax
import jax.numpy as jnp
from jax import lax
from jax.experimental import pallas as pl
from jax.experimental.pallas import tpu as pltpu
from jax.experimental.pallas import tpu_sc as plsc

T = 2048
T2 = T * T
STR = 8 * T
SPB = T // 8
SPT = 32
ACCW = 4096


def _sc_body(x_hbm, acc_hbm, bufA, bufB, acc, semA, semB):
    w = lax.axis_index("s") * 2 + lax.axis_index("c")
    b = w // 8
    s0 = (w % 8) * SPT
    base = b * T2
    lane = lax.iota(jnp.int32, 16)
    zero16 = jnp.zeros((16,), jnp.float32)
    colmask = jnp.where(lane < 15, 1.0, 0.0)

    def zbody(v, carry):
        acc[pl.ds(v * 16, 16)] = zero16
        return carry

    lax.fori_loop(0, ACCW // 16, zbody, 0)

    def start(buf, sem, s):
        pltpu.make_async_copy(
            x_hbm.at[pl.ds(base + s * STR, STR)], buf, sem
        ).start()

    def wait(buf, sem):
        pltpu.make_async_copy(x_hbm.at[pl.ds(0, STR)], buf, sem).wait()

    def compute_stripe(buf, s):
        r7 = jnp.where(s == SPB - 1, 0.0, 1.0)
        rb = (T - 1) - 8 * s
        for il in range(8):

            @plsc.parallel_loop(0, 127, unroll=4)
            def _(gx):
                o = (
                    lax.shift_left(lax.shift_right_logical(gx, 3), 10)
                    + lax.shift_left(jnp.bitwise_and(gx, 7), 4)
                    + il * 128
                )
                val = buf[pl.ds(o, 16)]
                if il == 7:
                    val = val * r7
                a0 = rb - il + gx * 16
                acc[pl.ds(a0, 16)] = acc[pl.ds(a0, 16)] + val

            val = buf[pl.ds(15 * 1024 + il * 128 + 7 * 16, 16)] * colmask
            if il == 7:
                val = val * r7
            a0 = rb - il + 127 * 16
            acc[pl.ds(a0, 16)] = acc[pl.ds(a0, 16)] + val

    start(bufA, semA, s0)

    def pair_body(p, carry):
        se = s0 + 2 * p
        so = se + 1
        wait(bufA, semA)
        start(bufB, semB, so)
        compute_stripe(bufA, se)
        wait(bufB, semB)

        @pl.when(p < SPT // 2 - 1)
        def _():
            start(bufA, semA, se + 2)

        compute_stripe(bufB, so)
        return carry

    lax.fori_loop(0, SPT // 2, pair_body, 0)

    pltpu.sync_copy(acc, acc_hbm.at[w])


def _finish_kernel(acc_ref, out_ref):
    rows = []
    for b in range(4):
        s = jnp.sum(acc_ref[8 * b : 8 * b + 8, :], axis=0, keepdims=True)
        rows.append(s[:, T // 2 - 1 : T // 2 - 1 + T])
    res = jnp.concatenate(rows, axis=0)
    jd = lax.broadcasted_iota(jnp.int32, (4, T), 1)
    count = (T - 1 - jnp.abs(jd - T // 2)).astype(jnp.float32)
    out_ref[...] = -res / count


@jax.jit
def kernel(x):
    B = x.shape[0]
    xt = (
        x.reshape(B, T // 8, 8, T // 128, 128)
        .swapaxes(2, 3)
        .reshape(-1)
    )

    sc = pl.kernel(
        _sc_body,
        out_type=jax.ShapeDtypeStruct((32, ACCW), jnp.float32),
        mesh=plsc.VectorSubcoreMesh(core_axis_name="c", subcore_axis_name="s"),
        scratch_types=[
            pltpu.VMEM((STR,), jnp.float32),
            pltpu.VMEM((STR,), jnp.float32),
            pltpu.VMEM((ACCW,), jnp.float32),
            pltpu.SemaphoreType.DMA,
            pltpu.SemaphoreType.DMA,
        ],
    )
    partial = sc(xt)

    out = pl.pallas_call(
        _finish_kernel,
        out_shape=jax.ShapeDtypeStruct((B, T), jnp.float32),
    )(partial)
    return out

# --- scband reference (transcript-rebuilt; emitter-appended) ---
"""Pipeline reference for scband-diag-mean-15522011808482 (READ-ONLY COPY).

The authoritative reference and input builder live on the scoring server;
editing this copy changes nothing except your own understanding.
"""

import jax, jax.numpy as jnp
import numpy as np


def setup_inputs(seed: int = 0) -> dict:
    key = jax.random.key(seed)
    x = jax.random.normal(key, (4, 2048, 2048), dtype=jnp.float32)
    return {"x": x}


def _diag_mean(flat_mat, T, diagi):
    # Faithful port of DiagMean.diag_mean:
    # ny = range(|min(0,diagi)|, T - 1 - |max(diagi,0)|)
    start = abs(min(0, diagi))
    limit = T - 1 - abs(max(diagi, 0))
    ny = jnp.arange(start, limit)
    nx = ny + diagi
    flat_indices = ny * T + nx
    return -1.0 * jnp.mean(jnp.take(flat_mat, flat_indices, axis=1), axis=1)


def reference(x):
    B = x.shape[0]
    T = x.shape[1]
    flat_mat = x.reshape(B, -1)
    # map over diagonals from -T//2 to T//2 (exclusive), matching tf.range
    diags = jnp.asarray(np.arange(-T // 2, T // 2, dtype=np.int32))
    j = jnp.arange(T - 1, dtype=jnp.int32)

    def per_diag(diagi):
        # start = |min(0, diagi)|, limit = T - 1 - |max(diagi, 0)|
        start = jnp.maximum(0, -diagi)
        limit = T - 1 - jnp.maximum(diagi, 0)
        ny = start + j
        valid = ny < limit
        nx = ny + diagi
        flat_indices = jnp.where(valid, ny * T + nx, 0)
        vals = jnp.take(flat_mat, flat_indices, axis=1)  # [B, T-1]
        count = (limit - start).astype(flat_mat.dtype)   # = T - 1 - |diagi|
        s = jnp.sum(jnp.where(valid[None, :], vals, jnp.zeros((), flat_mat.dtype)), axis=1)
        return -1.0 * (s / count)

    mean = jax.vmap(per_diag)(diags)  # [num_diags, B]
    mean = jnp.transpose(mean)        # [B, num_diags] == [B, T//2 + T//2]
    return mean

if __name__ == "__main__":
    import jax
    _d = setup_inputs()
    print(jax.jit(kernel)(*tuple(_d.values())))

</pallas_src>

<mosaic_0001>
#map = affine_map<(d0, d1) -> (0)>
#map1 = affine_map<(d0, d1) -> (0, 0)>
module attributes {stable_mosaic.version = 14 : i64} {
  func.func @_sc_body(%arg0: i32, %arg1: i32, %arg2: memref<16777216xf32, #tpu.memory_space<hbm>>, %arg3: memref<32x4096xf32, #tpu.memory_space<hbm>>, %arg4: memref<16384xf32, #tpu.memory_space<vmem>>, %arg5: memref<16384xf32, #tpu.memory_space<vmem>>, %arg6: memref<4096xf32, #tpu.memory_space<vmem>>, %arg7: memref<!tpu.dma_semaphore, #tpu.memory_space<semaphore_mem>>, %arg8: memref<!tpu.dma_semaphore, #tpu.memory_space<semaphore_mem>>) attributes {dimension_semantics = [#tpu.dimension_semantics<core_parallel>, #tpu.dimension_semantics<subcore_parallel>], iteration_bounds = array<i64: 2, 16>, scalar_prefetch = 0 : i64, scratch_operands = 5 : i64, tpu.core_type = #tpu.core_type<sc_vector_subcore>, window_params = [{transform_indices = #map}, {transform_indices = #map1}]} {
    %mul3A = arith.constant 2 : i32
    %mul3A_0 = arith.muli %arg1, %mul3A : i32
    %add3A = arith.addi %mul3A_0, %arg0 : i32
    %jit3A = arith.constant 8 : i32
    %div3A = arith.divsi %add3A, %jit3A : i32
    %sign3A = arith.constant 0 : i32
    %sign3A_1 = arith.cmpi sgt, %add3A, %sign3A : i32
    %sign3A_2 = arith.extui %sign3A_1 : i1 to i32
    %sign3A_3 = arith.constant 0 : i32
    %sign3A_4 = arith.cmpi slt, %add3A, %sign3A_3 : i32
    %sign3A_5 = arith.extui %sign3A_4 : i1 to i32
    %sign3A_6 = arith.subi %sign3A_2, %sign3A_5 : i32
    %sign3A_7 = arith.constant 0 : i32
    %sign3A_8 = arith.cmpi sgt, %jit3A, %sign3A_7 : i32
    %sign3A_9 = arith.extui %sign3A_8 : i1 to i32
    %sign3A_10 = arith.constant 0 : i32
    %sign3A_11 = arith.cmpi slt, %jit3A, %sign3A_10 : i32
    %sign3A_12 = arith.extui %sign3A_11 : i1 to i32
    %sign3A_13 = arith.subi %sign3A_9, %sign3A_12 : i32
    %ne3A = arith.cmpi ne, %sign3A_6, %sign3A_13 : i32
    %rem3A = arith.remsi %add3A, %jit3A : i32
    %ne3A_14 = arith.constant 0 : i32
    %ne3A_15 = arith.cmpi ne, %rem3A, %ne3A_14 : i32
    %and3A = arith.andi %ne3A, %ne3A_15 : i1
    %sub3A = arith.constant 1 : i32
    %sub3A_16 = arith.subi %div3A, %sub3A : i32
    %select_n3A = arith.select %and3A, %sub3A_16, %div3A : i32
    %jit3A_17 = arith.constant 8 : i32
    %eq3A = arith.constant 0 : i32
    %eq3A_18 = arith.cmpi eq, %jit3A_17, %eq3A : i32
    %jit3A_19 = arith.constant 1 : i32
    %select_n3A_20 = arith.select %eq3A_18, %jit3A_19, %jit3A_17 : i32
    %rem3A_21 = arith.remsi %add3A, %select_n3A_20 : i32
    %ne3A_22 = arith.constant 0 : i32
    %ne3A_23 = arith.cmpi ne, %rem3A_21, %ne3A_22 : i32
    %lt3A = arith.constant 0 : i32
    %lt3A_24 = arith.cmpi slt, %rem3A_21, %lt3A : i32
    %lt3A_25 = arith.constant 0 : i32
    %lt3A_26 = arith.cmpi slt, %select_n3A_20, %lt3A_25 : i32
    %ne3A_27 = arith.xori %lt3A_24, %lt3A_26 : i1
    %and3A_28 = arith.andi %ne3A_27, %ne3A_23 : i1
    %add3A_29 = arith.addi %rem3A_21, %select_n3A_20 : i32
    %select_n3A_30 = arith.select %and3A_28, %add3A_29, %rem3A_21 : i32
    %mul3A_31 = arith.constant 32 : i32
    %mul3A_32 = arith.muli %select_n3A_30, %mul3A_31 : i32
    %mul3A_33 = arith.constant 4194304 : i32
    %mul3A_34 = arith.muli %select_n3A, %mul3A_33 : i32
    %iota3A = tpu.iota {dimensions = array<i32: 0>} : vector<16xi32>
    %broadcast_in_dim3A = arith.constant 0.000000e+00 : f32
    %broadcast_in_dim3A_35 = vector.broadcast %broadcast_in_dim3A : f32 to vector<16xf32>
    %lt3A_36 = arith.constant 15 : i32
    %lt3A_37 = vector.broadcast %lt3A_36 : i32 to vector<16xi32>
    %lt3A_38 = arith.cmpi slt, %iota3A, %lt3A_37 : vector<16xi32>
    %jit3A_39 = arith.constant 1.000000e+00 : f32
    %jit3A_40 = arith.constant 0.000000e+00 : f32
    %broadcast_in_dim3A_41 = vector.broadcast %jit3A_39 : f32 to vector<16xf32>
    %broadcast_in_dim3A_42 = vector.broadcast %jit3A_40 : f32 to vector<16xf32>
    %select_n3A_43 = arith.select %lt3A_38, %broadcast_in_dim3A_41, %broadcast_in_dim3A_42 : vector<16xi1>, vector<16xf32>
    %scan3A = arith.constant 0 : i32
    %scan3A_44 = arith.constant 0 : i32
    %scan3A_45 = arith.constant 256 : i32
    %scan3A_46 = arith.addi %scan3A_44, %scan3A_45 : i32
    %scan3A_47 = arith.constant 1 : i32
    scf.for %scan3A_59 = %scan3A_44 to %scan3A_46 step %scan3A_47  : i32 {
      %mul3A_60 = arith.constant 16 : i32
      %mul3A_61 = arith.muli %scan3A_59, %mul3A_60 : i32
      %swap3A = arith.index_cast %mul3A_61 : i32 to index
      %swap3A_62 = tpu.vector_load %arg6[%swap3A] {strides = array<i32>} : memref<4096xf32, #tpu.memory_space<vmem>>, vector<16xf32>,
      %swap3A_63 = vector.shape_cast %swap3A_62 : vector<16xf32> to vector<16xf32>
      %swap3A_64 = vector.shape_cast %broadcast_in_dim3A_35 : vector<16xf32> to vector<16xf32>
      tpu.vector_store %arg6[%swap3A], %swap3A_64 {strides = array<i32>} : memref<4096xf32, #tpu.memory_space<vmem>>, vector<16xf32>,
    }
    %scan3A_48 = arith.constant 256 : i32
    %mul3A_49 = arith.constant 16384 : i32
    %mul3A_50 = arith.muli %mul3A_32, %mul3A_49 : i32
    %add3A_51 = arith.addi %mul3A_34, %mul3A_50 : i32
    %dma_start3A = tpu.memref_slice %arg2[%add3A_51] : memref<16777216xf32, #tpu.memory_space<hbm>> -> memref<16384xf32, #tpu.memory_space<hbm>>
    %dma_start3A_52 = tpu.memref_slice %arg2[%add3A_51] : memref<16777216xf32, #tpu.memory_space<hbm>> -> memref<16384xf32, #tpu.memory_space<hbm>>
    tpu.enqueue_dma source(%dma_start3A_52 : memref<16384xf32, #tpu.memory_space<hbm>>) target(%arg4 : memref<16384xf32, #tpu.memory_space<vmem>>) target_semaphore(%arg7 : memref<!tpu.dma_semaphore, #tpu.memory_space<semaphore_mem>>)
    %scan3A_53 = arith.constant 0 : i32
    %scan3A_54 = arith.constant 0 : i32
    %scan3A_55 = arith.constant 16 : i32
    %scan3A_56 = arith.addi %scan3A_54, %scan3A_55 : i32
    %scan3A_57 = arith.constant 1 : i32
    scf.for %scan3A_59 = %scan3A_54 to %scan3A_56 step %scan3A_57  : i32 {
      %mul3A_60 = arith.constant 2 : i32
      %mul3A_61 = arith.muli %mul3A_60, %scan3A_59 : i32
      %add3A_62 = arith.addi %mul3A_32, %mul3A_61 : i32
      %add3A_63 = arith.constant 1 : i32
      %add3A_64 = arith.addi %add3A_62, %add3A_63 : i32
      %dma_wait3A = arith.constant 0 : i32
      %dma_wait3A_65 = tpu.memref_slice %arg2[%dma_wait3A] : memref<16777216xf32, #tpu.memory_space<hbm>> -> memref<16384xf32, #tpu.memory_space<hbm>>
      %dma_wait3A_66 = arith.constant 0 : i32
      %dma_wait3A_67 = tpu.memref_slice %arg2[%dma_wait3A_66] : memref<16777216xf32, #tpu.memory_space<hbm>> -> memref<16384xf32, #tpu.memory_space<hbm>>
      tpu.wait_dma2 semaphore(%arg7 : memref<!tpu.dma_semaphore, #tpu.memory_space<semaphore_mem>>) src(%dma_wait3A_67 : memref<16384xf32, #tpu.memory_space<hbm>>) dst(%arg4 : memref<16384xf32, #tpu.memory_space<vmem>>)
      %mul3A_68 = arith.constant 16384 : i32
      %mul3A_69 = arith.muli %add3A_64, %mul3A_68 : i32
      %add3A_70 = arith.addi %mul3A_34, %mul3A_69 : i32
      %dma_start3A_71 = tpu.memref_slice %arg2[%add3A_70] : memref<16777216xf32, #tpu.memory_space<hbm>> -> memref<16384xf32, #tpu.memory_space<hbm>>
      %dma_start3A_72 = tpu.memref_slice %arg2[%add3A_70] : memref<16777216xf32, #tpu.memory_space<hbm>> -> memref<16384xf32, #tpu.memory_space<hbm>>
      tpu.enqueue_dma source(%dma_start3A_72 : memref<16384xf32, #tpu.memory_space<hbm>>) target(%arg5 : memref<16384xf32, #tpu.memory_space<vmem>>) target_semaphore(%arg8 : memref<!tpu.dma_semaphore, #tpu.memory_space<semaphore_mem>>)
      %eq3A_73 = arith.constant 255 : i32
      %eq3A_74 = arith.cmpi eq, %add3A_62, %eq3A_73 : i32
      %jit3A_75 = arith.constant 0.000000e+00 : f32
      %jit3A_76 = arith.constant 1.000000e+00 : f32
      %select_n3A_77 = arith.select %eq3A_74, %jit3A_75, %jit3A_76 : f32
      %mul3A_78 = arith.constant 8 : i32
      %mul3A_79 = arith.muli %mul3A_78, %add3A_62 : i32
      %sub3A_80 = arith.constant 2047 : i32
      %sub3A_81 = arith.subi %sub3A_80, %mul3A_79 : i32
      %parallel_loop3A = arith.constant 0 : i32
      %parallel_loop3A_82 = arith.constant 127 : i32
      %parallel_loop3A_83 = arith.constant 1 : i32
      scf.for %parallel_loop3A_403 = %parallel_loop3A to %parallel_loop3A_82 step %parallel_loop3A_83  : i32 {
        %parallel_loop3A_404 = arith.constant 3 : i32
        %parallel_loop3A_405 = arith.shrui %parallel_loop3A_403, %parallel_loop3A_404 : i32
        %parallel_loop3A_406 = arith.constant 10 : i32
        %parallel_loop3A_407 = arith.shli %parallel_loop3A_405, %parallel_loop3A_406 : i32
        %parallel_loop3A_408 = arith.constant 7 : i32
        %parallel_loop3A_409 = arith.andi %parallel_loop3A_403, %parallel_loop3A_408 : i32
        %parallel_loop3A_410 = arith.constant 4 : i32
        %parallel_loop3A_411 = arith.shli %parallel_loop3A_409, %parallel_loop3A_410 : i32
        %parallel_loop3A_412 = arith.addi %parallel_loop3A_407, %parallel_loop3A_411 : i32
        %parallel_loop3A_413 = arith.constant 0 : i32
        %parallel_loop3A_414 = arith.addi %parallel_loop3A_412, %parallel_loop3A_413 : i32
        %parallel_loop3A_415 = arith.index_cast %parallel_loop3A_414 : i32 to index
        %parallel_loop3A_416 = tpu.vector_load %arg4[%parallel_loop3A_415] {strides = array<i32>} : memref<16384xf32, #tpu.memory_space<vmem>>, vector<16xf32>,
        %parallel_loop3A_417 = vector.shape_cast %parallel_loop3A_416 : vector<16xf32> to vector<16xf32>
        %parallel_loop3A_418 = arith.constant 0 : i32
        %parallel_loop3A_419 = arith.subi %sub3A_81, %parallel_loop3A_418 : i32
        %parallel_loop3A_420 = arith.constant 16 : i32
        %parallel_loop3A_421 = arith.muli %parallel_loop3A_403, %parallel_loop3A_420 : i32
        %parallel_loop3A_422 = arith.addi %parallel_loop3A_419, %parallel_loop3A_421 : i32
        %parallel_loop3A_423 = arith.index_cast %parallel_loop3A_422 : i32 to index
        %parallel_loop3A_424 = tpu.vector_load %arg6[%parallel_loop3A_423] {strides = array<i32>} : memref<4096xf32, #tpu.memory_space<vmem>>, vector<16xf32>,
        %parallel_loop3A_425 = vector.shape_cast %parallel_loop3A_424 : vector<16xf32> to vector<16xf32>
        %parallel_loop3A_426 = arith.addf %parallel_loop3A_425, %parallel_loop3A_417 : vector<16xf32>
        %parallel_loop3A_427 = arith.index_cast %parallel_loop3A_422 : i32 to index
        %parallel_loop3A_428 = tpu.vector_load %arg6[%parallel_loop3A_427] {strides = array<i32>} : memref<4096xf32, #tpu.memory_space<vmem>>, vector<16xf32>,
        %parallel_loop3A_429 = vector.shape_cast %parallel_loop3A_428 : vector<16xf32> to vector<16xf32>
        %parallel_loop3A_430 = vector.shape_cast %parallel_loop3A_426 : vector<16xf32> to vector<16xf32>
        tpu.vector_store %arg6[%parallel_loop3A_427], %parallel_loop3A_430 {strides = array<i32>} : memref<4096xf32, #tpu.memory_space<vmem>>, vector<16xf32>,
      } {sc.loop_unroll_factor = 4 : i64, sc.parallel_access}
      %get3A = arith.constant 15472 : index
      %get3A_84 = tpu.vector_load %arg4[%get3A] {strides = array<i32>} : memref<16384xf32, #tpu.memory_space<vmem>>, vector<16xf32>,
      %get3A_85 = vector.shape_cast %get3A_84 : vector<16xf32> to vector<16xf32>
      %mul3A_86 = arith.mulf %get3A_85, %select_n3A_43 : vector<16xf32>
      %sub3A_87 = arith.constant 0 : i32
      %sub3A_88 = arith.subi %sub3A_81, %sub3A_87 : i32
      %add3A_89 = arith.constant 2032 : i32
      %add3A_90 = arith.addi %sub3A_88, %add3A_89 : i32
      %get3A_91 = arith.index_cast %add3A_90 : i32 to index
      %get3A_92 = tpu.vector_load %arg6[%get3A_91] {strides = array<i32>} : memref<4096xf32, #tpu.memory_space<vmem>>, vector<16xf32>,
      %get3A_93 = vector.shape_cast %get3A_92 : vector<16xf32> to vector<16xf32>
      %add3A_94 = arith.addf %get3A_93, %mul3A_86 : vector<16xf32>
      %swap3A = arith.index_cast %add3A_90 : i32 to index
      %swap3A_95 = tpu.vector_load %arg6[%swap3A] {strides = array<i32>} : memref<4096xf32, #tpu.memory_space<vmem>>, vector<16xf32>,
      %swap3A_96 = vector.shape_cast %swap3A_95 : vector<16xf32> to vector<16xf32>
      %swap3A_97 = vector.shape_cast %add3A_94 : vector<16xf32> to vector<16xf32>
      tpu.vector_store %arg6[%swap3A], %swap3A_97 {strides = array<i32>} : memref<4096xf32, #tpu.memory_space<vmem>>, vector<16xf32>,
      %parallel_loop3A_98 = arith.constant 0 : i32
      %parallel_loop3A_99 = arith.constant 127 : i32
      %parallel_loop3A_100 = arith.constant 1 : i32
      scf.for %parallel_loop3A_403 = %parallel_loop3A_98 to %parallel_loop3A_99 step %parallel_loop3A_100  : i32 {
        %parallel_loop3A_404 = arith.constant 3 : i32
        %parallel_loop3A_405 = arith.shrui %parallel_loop3A_403, %parallel_loop3A_404 : i32
        %parallel_loop3A_406 = arith.constant 10 : i32
        %parallel_loop3A_407 = arith.shli %parallel_loop3A_405, %parallel_loop3A_406 : i32
        %parallel_loop3A_408 = arith.constant 7 : i32
        %parallel_loop3A_409 = arith.andi %parallel_loop3A_403, %parallel_loop3A_408 : i32
        %parallel_loop3A_410 = arith.constant 4 : i32
        %parallel_loop3A_411 = arith.shli %parallel_loop3A_409, %parallel_loop3A_410 : i32
        %parallel_loop3A_412 = arith.addi %parallel_loop3A_407, %parallel_loop3A_411 : i32
        %parallel_loop3A_413 = arith.constant 128 : i32
        %parallel_loop3A_414 = arith.addi %parallel_loop3A_412, %parallel_loop3A_413 : i32
        %parallel_loop3A_415 = arith.index_cast %parallel_loop3A_414 : i32 to index
        %parallel_loop3A_416 = tpu.vector_load %arg4[%parallel_loop3A_415] {strides = array<i32>} : memref<16384xf32, #tpu.memory_space<vmem>>, vector<16xf32>,
        %parallel_loop3A_417 = vector.shape_cast %parallel_loop3A_416 : vector<16xf32> to vector<16xf32>
        %parallel_loop3A_418 = arith.constant 1 : i32
        %parallel_loop3A_419 = arith.subi %sub3A_81, %parallel_loop3A_418 : i32
        %parallel_loop3A_420 = arith.constant 16 : i32
        %parallel_loop3A_421 = arith.muli %parallel_loop3A_403, %parallel_loop3A_420 : i32
        %parallel_loop3A_422 = arith.addi %parallel_loop3A_419, %parallel_loop3A_421 : i32
        %parallel_loop3A_423 = arith.index_cast %parallel_loop3A_422 : i32 to index
        %parallel_loop3A_424 = tpu.vector_load %arg6[%parallel_loop3A_423] {strides = array<i32>} : memref<4096xf32, #tpu.memory_space<vmem>>, vector<16xf32>,
        %parallel_loop3A_425 = vector.shape_cast %parallel_loop3A_424 : vector<16xf32> to vector<16xf32>
        %parallel_loop3A_426 = arith.addf %parallel_loop3A_425, %parallel_loop3A_417 : vector<16xf32>
        %parallel_loop3A_427 = arith.index_cast %parallel_loop3A_422 : i32 to index
        %parallel_loop3A_428 = tpu.vector_load %arg6[%parallel_loop3A_427] {strides = array<i32>} : memref<4096xf32, #tpu.memory_space<vmem>>, vector<16xf32>,
        %parallel_loop3A_429 = vector.shape_cast %parallel_loop3A_428 : vector<16xf32> to vector<16xf32>
        %parallel_loop3A_430 = vector.shape_cast %parallel_loop3A_426 : vector<16xf32> to vector<16xf32>
        tpu.vector_store %arg6[%parallel_loop3A_427], %parallel_loop3A_430 {strides = array<i32>} : memref<4096xf32, #tpu.memory_space<vmem>>, vector<16xf32>,
      } {sc.loop_unroll_factor = 4 : i64, sc.parallel_access}
      %get3A_101 = arith.constant 15600 : index
      %get3A_102 = tpu.vector_load %arg4[%get3A_101] {strides = array<i32>} : memref<16384xf32, #tpu.memory_space<vmem>>, vector<16xf32>,
      %get3A_103 = vector.shape_cast %get3A_102 : vector<16xf32> to vector<16xf32>
      %mul3A_104 = arith.mulf %get3A_103, %select_n3A_43 : vector<16xf32>
      %sub3A_105 = arith.constant 1 : i32
      %sub3A_106 = arith.subi %sub3A_81, %sub3A_105 : i32
      %add3A_107 = arith.constant 2032 : i32
      %add3A_108 = arith.addi %sub3A_106, %add3A_107 : i32
      %get3A_109 = arith.index_cast %add3A_108 : i32 to index
      %get3A_110 = tpu.vector_load %arg6[%get3A_109] {strides = array<i32>} : memref<4096xf32, #tpu.memory_space<vmem>>, vector<16xf32>,
      %get3A_111 = vector.shape_cast %get3A_110 : vector<16xf32> to vector<16xf32>
      %add3A_112 = arith.addf %get3A_111, %mul3A_104 : vector<16xf32>
      %swap3A_113 = arith.index_cast %add3A_108 : i32 to index
      %swap3A_114 = tpu.vector_load %arg6[%swap3A_113] {strides = array<i32>} : memref<4096xf32, #tpu.memory_space<vmem>>, vector<16xf32>,
      %swap3A_115 = vector.shape_cast %swap3A_114 : vector<16xf32> to vector<16xf32>
      %swap3A_116 = vector.shape_cast %add3A_112 : vector<16xf32> to vector<16xf32>
      tpu.vector_store %arg6[%swap3A_113], %swap3A_116 {strides = array<i32>} : memref<4096xf32, #tpu.memory_space<vmem>>, vector<16xf32>,
      %parallel_loop3A_117 = arith.constant 0 : i32
      %parallel_loop3A_118 = arith.constant 127 : i32
      %parallel_loop3A_119 = arith.constant 1 : i32
      scf.for %parallel_loop3A_403 = %parallel_loop3A_117 to %parallel_loop3A_118 step %parallel_loop3A_119  : i32 {
        %parallel_loop3A_404 = arith.constant 3 : i32
        %parallel_loop3A_405 = arith.shrui %parallel_loop3A_403, %parallel_loop3A_404 : i32
        %parallel_loop3A_406 = arith.constant 10 : i32
        %parallel_loop3A_407 = arith.shli %parallel_loop3A_405, %parallel_loop3A_406 : i32
        %parallel_loop3A_408 = arith.constant 7 : i32
        %parallel_loop3A_409 = arith.andi %parallel_loop3A_403, %parallel_loop3A_408 : i32
        %parallel_loop3A_410 = arith.constant 4 : i32
        %parallel_loop3A_411 = arith.shli %parallel_loop3A_409, %parallel_loop3A_410 : i32
        %parallel_loop3A_412 = arith.addi %parallel_loop3A_407, %parallel_loop3A_411 : i32
        %parallel_loop3A_413 = arith.constant 256 : i32
        %parallel_loop3A_414 = arith.addi %parallel_loop3A_412, %parallel_loop3A_413 : i32
        %parallel_loop3A_415 = arith.index_cast %parallel_loop3A_414 : i32 to index
        %parallel_loop3A_416 = tpu.vector_load %arg4[%parallel_loop3A_415] {strides = array<i32>} : memref<16384xf32, #tpu.memory_space<vmem>>, vector<16xf32>,
        %parallel_loop3A_417 = vector.shape_cast %parallel_loop3A_416 : vector<16xf32> to vector<16xf32>
        %parallel_loop3A_418 = arith.constant 2 : i32
        %parallel_loop3A_419 = arith.subi %sub3A_81, %parallel_loop3A_418 : i32
        %parallel_loop3A_420 = arith.constant 16 : i32
        %parallel_loop3A_421 = arith.muli %parallel_loop3A_403, %parallel_loop3A_420 : i32
        %parallel_loop3A_422 = arith.addi %parallel_loop3A_419, %parallel_loop3A_421 : i32
        %parallel_loop3A_423 = arith.index_cast %parallel_loop3A_422 : i32 to index
        %parallel_loop3A_424 = tpu.vector_load %arg6[%parallel_loop3A_423] {strides = array<i32>} : memref<4096xf32, #tpu.memory_space<vmem>>, vector<16xf32>,
        %parallel_loop3A_425 = vector.shape_cast %parallel_loop3A_424 : vector<16xf32> to vector<16xf32>
        %parallel_loop3A_426 = arith.addf %parallel_loop3A_425, %parallel_loop3A_417 : vector<16xf32>
        %parallel_loop3A_427 = arith.index_cast %parallel_loop3A_422 : i32 to index
        %parallel_loop3A_428 = tpu.vector_load %arg6[%parallel_loop3A_427] {strides = array<i32>} : memref<4096xf32, #tpu.memory_space<vmem>>, vector<16xf32>,
        %parallel_loop3A_429 = vector.shape_cast %parallel_loop3A_428 : vector<16xf32> to vector<16xf32>
        %parallel_loop3A_430 = vector.shape_cast %parallel_loop3A_426 : vector<16xf32> to vector<16xf32>
        tpu.vector_store %arg6[%parallel_loop3A_427], %parallel_loop3A_430 {strides = array<i32>} : memref<4096xf32, #tpu.memory_space<vmem>>, vector<16xf32>,
      } {sc.loop_unroll_factor = 4 : i64, sc.parallel_access}
      %get3A_120 = arith.constant 15728 : index
      %get3A_121 = tpu.vector_load %arg4[%get3A_120] {strides = array<i32>} : memref<16384xf32, #tpu.memory_space<vmem>>, vector<16xf32>,
      %get3A_122 = vector.shape_cast %get3A_121 : vector<16xf32> to vector<16xf32>
      %mul3A_123 = arith.mulf %get3A_122, %select_n3A_43 : vector<16xf32>
      %sub3A_124 = arith.constant 2 : i32
      %sub3A_125 = arith.subi %sub3A_81, %sub3A_124 : i32
      %add3A_126 = arith.constant 2032 : i32
      %add3A_127 = arith.addi %sub3A_125, %add3A_126 : i32
      %get3A_128 = arith.index_cast %add3A_127 : i32 to index
      %get3A_129 = tpu.vector_load %arg6[%get3A_128] {strides = array<i32>} : memref<4096xf32, #tpu.memory_space<vmem>>, vector<16xf32>,
      %get3A_130 = vector.shape_cast %get3A_129 : vector<16xf32> to vector<16xf32>
      %add3A_131 = arith.addf %get3A_130, %mul3A_123 : vector<16xf32>
      %swap3A_132 = arith.index_cast %add3A_127 : i32 to index
      %swap3A_133 = tpu.vector_load %arg6[%swap3A_132] {strides = array<i32>} : memref<4096xf32, #tpu.memory_space<vmem>>, vector<16xf32>,
      %swap3A_134 = vector.shape_cast %swap3A_133 : vector<16xf32> to vector<16xf32>
      %swap3A_135 = vector.shape_cast %add3A_131 : vector<16xf32> to vector<16xf32>
      tpu.vector_store %arg6[%swap3A_132], %swap3A_135 {strides = array<i32>} : memref<4096xf32, #tpu.memory_space<vmem>>, vector<16xf32>,
      %parallel_loop3A_136 = arith.constant 0 : i32
      %parallel_loop3A_137 = arith.constant 127 : i32
      %parallel_loop3A_138 = arith.constant 1 : i32
      scf.for %parallel_loop3A_403 = %parallel_loop3A_136 to %parallel_loop3A_137 step %parallel_loop3A_138  : i32 {
        %parallel_loop3A_404 = arith.constant 3 : i32
        %parallel_loop3A_405 = arith.shrui %parallel_loop3A_403, %parallel_loop3A_404 : i32
        %parallel_loop3A_406 = arith.constant 10 : i32
        %parallel_loop3A_407 = arith.shli %parallel_loop3A_405, %parallel_loop3A_406 : i32
        %parallel_loop3A_408 = arith.constant 7 : i32
        %parallel_loop3A_409 = arith.andi %parallel_loop3A_403, %parallel_loop3A_408 : i32
        %parallel_loop3A_410 = arith.constant 4 : i32
        %parallel_loop3A_411 = arith.shli %parallel_loop3A_409, %parallel_loop3A_410 : i32
        %parallel_loop3A_412 = arith.addi %parallel_loop3A_407, %parallel_loop3A_411 : i32
        %parallel_loop3A_413 = arith.constant 384 : i32
        %parallel_loop3A_414 = arith.addi %parallel_loop3A_412, %parallel_loop3A_413 : i32
        %parallel_loop3A_415 = arith.index_cast %parallel_loop3A_414 : i32 to index
        %parallel_loop3A_416 = tpu.vector_load %arg4[%parallel_loop3A_415] {strides = array<i32>} : memref<16384xf32, #tpu.memory_space<vmem>>, vector<16xf32>,
        %parallel_loop3A_417 = vector.shape_cast %parallel_loop3A_416 : vector<16xf32> to vector<16xf32>
        %parallel_loop3A_418 = arith.constant 3 : i32
        %parallel_loop3A_419 = arith.subi %sub3A_81, %parallel_loop3A_418 : i32
        %parallel_loop3A_420 = arith.constant 16 : i32
        %parallel_loop3A_421 = arith.muli %parallel_loop3A_403, %parallel_loop3A_420 : i32
        %parallel_loop3A_422 = arith.addi %parallel_loop3A_419, %parallel_loop3A_421 : i32
        %parallel_loop3A_423 = arith.index_cast %parallel_loop3A_422 : i32 to index
        %parallel_loop3A_424 = tpu.vector_load %arg6[%parallel_loop3A_423] {strides = array<i32>} : memref<4096xf32, #tpu.memory_space<vmem>>, vector<16xf32>,
        %parallel_loop3A_425 = vector.shape_cast %parallel_loop3A_424 : vector<16xf32> to vector<16xf32>
        %parallel_loop3A_426 = arith.addf %parallel_loop3A_425, %parallel_loop3A_417 : vector<16xf32>
        %parallel_loop3A_427 = arith.index_cast %parallel_loop3A_422 : i32 to index
        %parallel_loop3A_428 = tpu.vector_load %arg6[%parallel_loop3A_427] {strides = array<i32>} : memref<4096xf32, #tpu.memory_space<vmem>>, vector<16xf32>,
        %parallel_loop3A_429 = vector.shape_cast %parallel_loop3A_428 : vector<16xf32> to vector<16xf32>
        %parallel_loop3A_430 = vector.shape_cast %parallel_loop3A_426 : vector<16xf32> to vector<16xf32>
        tpu.vector_store %arg6[%parallel_loop3A_427], %parallel_loop3A_430 {strides = array<i32>} : memref<4096xf32, #tpu.memory_space<vmem>>, vector<16xf32>,
      } {sc.loop_unroll_factor = 4 : i64, sc.parallel_access}
      %get3A_139 = arith.constant 15856 : index
      %get3A_140 = tpu.vector_load %arg4[%get3A_139] {strides = array<i32>} : memref<16384xf32, #tpu.memory_space<vmem>>, vector<16xf32>,
      %get3A_141 = vector.shape_cast %get3A_140 : vector<16xf32> to vector<16xf32>
      %mul3A_142 = arith.mulf %get3A_141, %select_n3A_43 : vector<16xf32>
      %sub3A_143 = arith.constant 3 : i32
      %sub3A_144 = arith.subi %sub3A_81, %sub3A_143 : i32
      %add3A_145 = arith.constant 2032 : i32
      %add3A_146 = arith.addi %sub3A_144, %add3A_145 : i32
      %get3A_147 = arith.index_cast %add3A_146 : i32 to index
      %get3A_148 = tpu.vector_load %arg6[%get3A_147] {strides = array<i32>} : memref<4096xf32, #tpu.memory_space<vmem>>, vector<16xf32>,
      %get3A_149 = vector.shape_cast %get3A_148 : vector<16xf32> to vector<16xf32>
      %add3A_150 = arith.addf %get3A_149, %mul3A_142 : vector<16xf32>
      %swap3A_151 = arith.index_cast %add3A_146 : i32 to index
      %swap3A_152 = tpu.vector_load %arg6[%swap3A_151] {strides = array<i32>} : memref<4096xf32, #tpu.memory_space<vmem>>, vector<16xf32>,
      %swap3A_153 = vector.shape_cast %swap3A_152 : vector<16xf32> to vector<16xf32>
      %swap3A_154 = vector.shape_cast %add3A_150 : vector<16xf32> to vector<16xf32>
      tpu.vector_store %arg6[%swap3A_151], %swap3A_154 {strides = array<i32>} : memref<4096xf32, #tpu.memory_space<vmem>>, vector<16xf32>,
      %parallel_loop3A_155 = arith.constant 0 : i32
      %parallel_loop3A_156 = arith.constant 127 : i32
      %parallel_loop3A_157 = arith.constant 1 : i32
      scf.for %parallel_loop3A_403 = %parallel_loop3A_155 to %parallel_loop3A_156 step %parallel_loop3A_157  : i32 {
        %parallel_loop3A_404 = arith.constant 3 : i32
        %parallel_loop3A_405 = arith.shrui %parallel_loop3A_403, %parallel_loop3A_404 : i32
        %parallel_loop3A_406 = arith.constant 10 : i32
        %parallel_loop3A_407 = arith.shli %parallel_loop3A_405, %parallel_loop3A_406 : i32
        %parallel_loop3A_408 = arith.constant 7 : i32
        %parallel_loop3A_409 = arith.andi %parallel_loop3A_403, %parallel_loop3A_408 : i32
        %parallel_loop3A_410 = arith.constant 4 : i32
        %parallel_loop3A_411 = arith.shli %parallel_loop3A_409, %parallel_loop3A_410 : i32
        %parallel_loop3A_412 = arith.addi %parallel_loop3A_407, %parallel_loop3A_411 : i32
        %parallel_loop3A_413 = arith.constant 512 : i32
        %parallel_loop3A_414 = arith.addi %parallel_loop3A_412, %parallel_loop3A_413 : i32
        %parallel_loop3A_415 = arith.index_cast %parallel_loop3A_414 : i32 to index
        %parallel_loop3A_416 = tpu.vector_load %arg4[%parallel_loop3A_415] {strides = array<i32>} : memref<16384xf32, #tpu.memory_space<vmem>>, vector<16xf32>,
        %parallel_loop3A_417 = vector.shape_cast %parallel_loop3A_416 : vector<16xf32> to vector<16xf32>
        %parallel_loop3A_418 = arith.constant 4 : i32
        %parallel_loop3A_419 = arith.subi %sub3A_81, %parallel_loop3A_418 : i32
        %parallel_loop3A_420 = arith.constant 16 : i32
        %parallel_loop3A_421 = arith.muli %parallel_loop3A_403, %parallel_loop3A_420 : i32
        %parallel_loop3A_422 = arith.addi %parallel_loop3A_419, %parallel_loop3A_421 : i32
        %parallel_loop3A_423 = arith.index_cast %parallel_loop3A_422 : i32 to index
        %parallel_loop3A_424 = tpu.vector_load %arg6[%parallel_loop3A_423] {strides = array<i32>} : memref<4096xf32, #tpu.memory_space<vmem>>, vector<16xf32>,
        %parallel_loop3A_425 = vector.shape_cast %parallel_loop3A_424 : vector<16xf32> to vector<16xf32>
        %parallel_loop3A_426 = arith.addf %parallel_loop3A_425, %parallel_loop3A_417 : vector<16xf32>
        %parallel_loop3A_427 = arith.index_cast %parallel_loop3A_422 : i32 to index
        %parallel_loop3A_428 = tpu.vector_load %arg6[%parallel_loop3A_427] {strides = array<i32>} : memref<4096xf32, #tpu.memory_space<vmem>>, vector<16xf32>,
        %parallel_loop3A_429 = vector.shape_cast %parallel_loop3A_428 : vector<16xf32> to vector<16xf32>
        %parallel_loop3A_430 = vector.shape_cast %parallel_loop3A_426 : vector<16xf32> to vector<16xf32>
        tpu.vector_store %arg6[%parallel_loop3A_427], %parallel_loop3A_430 {strides = array<i32>} : memref<4096xf32, #tpu.memory_space<vmem>>, vector<16xf32>,
      } {sc.loop_unroll_factor = 4 : i64, sc.parallel_access}
      %get3A_158 = arith.constant 15984 : index
      %get3A_159 = tpu.vector_load %arg4[%get3A_158] {strides = array<i32>} : memref<16384xf32, #tpu.memory_space<vmem>>, vector<16xf32>,
      %get3A_160 = vector.shape_cast %get3A_159 : vector<16xf32> to vector<16xf32>
      %mul3A_161 = arith.mulf %get3A_160, %select_n3A_43 : vector<16xf32>
      %sub3A_162 = arith.constant 4 : i32
      %sub3A_163 = arith.subi %sub3A_81, %sub3A_162 : i32
      %add3A_164 = arith.constant 2032 : i32
      %add3A_165 = arith.addi %sub3A_163, %add3A_164 : i32
      %get3A_166 = arith.index_cast %add3A_165 : i32 to index
      %get3A_167 = tpu.vector_load %arg6[%get3A_166] {strides = array<i32>} : memref<4096xf32, #tpu.memory_space<vmem>>, vector<16xf32>,
      %get3A_168 = vector.shape_cast %get3A_167 : vector<16xf32> to vector<16xf32>
      %add3A_169 = arith.addf %get3A_168, %mul3A_161 : vector<16xf32>
      %swap3A_170 = arith.index_cast %add3A_165 : i32 to index
      %swap3A_171 = tpu.vector_load %arg6[%swap3A_170] {strides = array<i32>} : memref<4096xf32, #tpu.memory_space<vmem>>, vector<16xf32>,
      %swap3A_172 = vector.shape_cast %swap3A_171 : vector<16xf32> to vector<16xf32>
      %swap3A_173 = vector.shape_cast %add3A_169 : vector<16xf32> to vector<16xf32>
      tpu.vector_store %arg6[%swap3A_170], %swap3A_173 {strides = array<i32>} : memref<4096xf32, #tpu.memory_space<vmem>>, vector<16xf32>,
      %parallel_loop3A_174 = arith.constant 0 : i32
      %parallel_loop3A_175 = arith.constant 127 : i32
      %parallel_loop3A_176 = arith.constant 1 : i32
      scf.for %parallel_loop3A_403 = %parallel_loop3A_174 to %parallel_loop3A_175 step %parallel_loop3A_176  : i32 {
        %parallel_loop3A_404 = arith.constant 3 : i32
        %parallel_loop3A_405 = arith.shrui %parallel_loop3A_403, %parallel_loop3A_404 : i32
        %parallel_loop3A_406 = arith.constant 10 : i32
        %parallel_loop3A_407 = arith.shli %parallel_loop3A_405, %parallel_loop3A_406 : i32
        %parallel_loop3A_408 = arith.constant 7 : i32
        %parallel_loop3A_409 = arith.andi %parallel_loop3A_403, %parallel_loop3A_408 : i32
        %parallel_loop3A_410 = arith.constant 4 : i32
        %parallel_loop3A_411 = arith.shli %parallel_loop3A_409, %parallel_loop3A_410 : i32
        %parallel_loop3A_412 = arith.addi %parallel_loop3A_407, %parallel_loop3A_411 : i32
        %parallel_loop3A_413 = arith.constant 640 : i32
        %parallel_loop3A_414 = arith.addi %parallel_loop3A_412, %parallel_loop3A_413 : i32
        %parallel_loop3A_415 = arith.index_cast %parallel_loop3A_414 : i32 to index
        %parallel_loop3A_416 = tpu.vector_load %arg4[%parallel_loop3A_415] {strides = array<i32>} : memref<16384xf32, #tpu.memory_space<vmem>>, vector<16xf32>,
        %parallel_loop3A_417 = vector.shape_cast %parallel_loop3A_416 : vector<16xf32> to vector<16xf32>
        %parallel_loop3A_418 = arith.constant 5 : i32
        %parallel_loop3A_419 = arith.subi %sub3A_81, %parallel_loop3A_418 : i32
        %parallel_loop3A_420 = arith.constant 16 : i32
        %parallel_loop3A_421 = arith.muli %parallel_loop3A_403, %parallel_loop3A_420 : i32
        %parallel_loop3A_422 = arith.addi %parallel_loop3A_419, %parallel_loop3A_421 : i32
        %parallel_loop3A_423 = arith.index_cast %parallel_loop3A_422 : i32 to index
        %parallel_loop3A_424 = tpu.vector_load %arg6[%parallel_loop3A_423] {strides = array<i32>} : memref<4096xf32, #tpu.memory_space<vmem>>, vector<16xf32>,
        %parallel_loop3A_425 = vector.shape_cast %parallel_loop3A_424 : vector<16xf32> to vector<16xf32>
        %parallel_loop3A_426 = arith.addf %parallel_loop3A_425, %parallel_loop3A_417 : vector<16xf32>
        %parallel_loop3A_427 = arith.index_cast %parallel_loop3A_422 : i32 to index
        %parallel_loop3A_428 = tpu.vector_load %arg6[%parallel_loop3A_427] {strides = array<i32>} : memref<4096xf32, #tpu.memory_space<vmem>>, vector<16xf32>,
        %parallel_loop3A_429 = vector.shape_cast %parallel_loop3A_428 : vector<16xf32> to vector<16xf32>
        %parallel_loop3A_430 = vector.shape_cast %parallel_loop3A_426 : vector<16xf32> to vector<16xf32>
        tpu.vector_store %arg6[%parallel_loop3A_427], %parallel_loop3A_430 {strides = array<i32>} : memref<4096xf32, #tpu.memory_space<vmem>>, vector<16xf32>,
      } {sc.loop_unroll_factor = 4 : i64, sc.parallel_access}
      %get3A_177 = arith.constant 16112 : index
      %get3A_178 = tpu.vector_load %arg4[%get3A_177] {strides = array<i32>} : memref<16384xf32, #tpu.memory_space<vmem>>, vector<16xf32>,
      %get3A_179 = vector.shape_cast %get3A_178 : vector<16xf32> to vector<16xf32>
      %mul3A_180 = arith.mulf %get3A_179, %select_n3A_43 : vector<16xf32>
      %sub3A_181 = arith.constant 5 : i32
      %sub3A_182 = arith.subi %sub3A_81, %sub3A_181 : i32
      %add3A_183 = arith.constant 2032 : i32
      %add3A_184 = arith.addi %sub3A_182, %add3A_183 : i32
      %get3A_185 = arith.index_cast %add3A_184 : i32 to index
      %get3A_186 = tpu.vector_load %arg6[%get3A_185] {strides = array<i32>} : memref<4096xf32, #tpu.memory_space<vmem>>, vector<16xf32>,
      %get3A_187 = vector.shape_cast %get3A_186 : vector<16xf32> to vector<16xf32>
      %add3A_188 = arith.addf %get3A_187, %mul3A_180 : vector<16xf32>
      %swap3A_189 = arith.index_cast %add3A_184 : i32 to index
      %swap3A_190 = tpu.vector_load %arg6[%swap3A_189] {strides = array<i32>} : memref<4096xf32, #tpu.memory_space<vmem>>, vector<16xf32>,
      %swap3A_191 = vector.shape_cast %swap3A_190 : vector<16xf32> to vector<16xf32>
      %swap3A_192 = vector.shape_cast %add3A_188 : vector<16xf32> to vector<16xf32>
      tpu.vector_store %arg6[%swap3A_189], %swap3A_192 {strides = array<i32>} : memref<4096xf32, #tpu.memory_space<vmem>>, vector<16xf32>,
      %parallel_loop3A_193 = arith.constant 0 : i32
      %parallel_loop3A_194 = arith.constant 127 : i32
      %parallel_loop3A_195 = arith.constant 1 : i32
      scf.for %parallel_loop3A_403 = %parallel_loop3A_193 to %parallel_loop3A_194 step %parallel_loop3A_195  : i32 {
        %parallel_loop3A_404 = arith.constant 3 : i32
        %parallel_loop3A_405 = arith.shrui %parallel_loop3A_403, %parallel_loop3A_404 : i32
        %parallel_loop3A_406 = arith.constant 10 : i32
        %parallel_loop3A_407 = arith.shli %parallel_loop3A_405, %parallel_loop3A_406 : i32
        %parallel_loop3A_408 = arith.constant 7 : i32
        %parallel_loop3A_409 = arith.andi %parallel_loop3A_403, %parallel_loop3A_408 : i32
        %parallel_loop3A_410 = arith.constant 4 : i32
        %parallel_loop3A_411 = arith.shli %parallel_loop3A_409, %parallel_loop3A_410 : i32
        %parallel_loop3A_412 = arith.addi %parallel_loop3A_407, %parallel_loop3A_411 : i32
        %parallel_loop3A_413 = arith.constant 768 : i32
        %parallel_loop3A_414 = arith.addi %parallel_loop3A_412, %parallel_loop3A_413 : i32
        %parallel_loop3A_415 = arith.index_cast %parallel_loop3A_414 : i32 to index
        %parallel_loop3A_416 = tpu.vector_load %arg4[%parallel_loop3A_415] {strides = array<i32>} : memref<16384xf32, #tpu.memory_space<vmem>>, vector<16xf32>,
        %parallel_loop3A_417 = vector.shape_cast %parallel_loop3A_416 : vector<16xf32> to vector<16xf32>
        %parallel_loop3A_418 = arith.constant 6 : i32
        %parallel_loop3A_419 = arith.subi %sub3A_81, %parallel_loop3A_418 : i32
        %parallel_loop3A_420 = arith.constant 16 : i32
        %parallel_loop3A_421 = arith.muli %parallel_loop3A_403, %parallel_loop3A_420 : i32
        %parallel_loop3A_422 = arith.addi %parallel_loop3A_419, %parallel_loop3A_421 : i32
        %parallel_loop3A_423 = arith.index_cast %parallel_loop3A_422 : i32 to index
        %parallel_loop3A_424 = tpu.vector_load %arg6[%parallel_loop3A_423] {strides = array<i32>} : memref<4096xf32, #tpu.memory_space<vmem>>, vector<16xf32>,
        %parallel_loop3A_425 = vector.shape_cast %parallel_loop3A_424 : vector<16xf32> to vector<16xf32>
        %parallel_loop3A_426 = arith.addf %parallel_loop3A_425, %parallel_loop3A_417 : vector<16xf32>
        %parallel_loop3A_427 = arith.index_cast %parallel_loop3A_422 : i32 to index
        %parallel_loop3A_428 = tpu.vector_load %arg6[%parallel_loop3A_427] {strides = array<i32>} : memref<4096xf32, #tpu.memory_space<vmem>>, vector<16xf32>,
        %parallel_loop3A_429 = vector.shape_cast %parallel_loop3A_428 : vector<16xf32> to vector<16xf32>
        %parallel_loop3A_430 = vector.shape_cast %parallel_loop3A_426 : vector<16xf32> to vector<16xf32>
        tpu.vector_store %arg6[%parallel_loop3A_427], %parallel_loop3A_430 {strides = array<i32>} : memref<4096xf32, #tpu.memory_space<vmem>>, vector<16xf32>,
      } {sc.loop_unroll_factor = 4 : i64, sc.parallel_access}
      %get3A_196 = arith.constant 16240 : index
      %get3A_197 = tpu.vector_load %arg4[%get3A_196] {strides = array<i32>} : memref<16384xf32, #tpu.memory_space<vmem>>, vector<16xf32>,
      %get3A_198 = vector.shape_cast %get3A_197 : vector<16xf32> to vector<16xf32>
      %mul3A_199 = arith.mulf %get3A_198, %select_n3A_43 : vector<16xf32>
      %sub3A_200 = arith.constant 6 : i32
      %sub3A_201 = arith.subi %sub3A_81, %sub3A_200 : i32
      %add3A_202 = arith.constant 2032 : i32
      %add3A_203 = arith.addi %sub3A_201, %add3A_202 : i32
      %get3A_204 = arith.index_cast %add3A_203 : i32 to index
      %get3A_205 = tpu.vector_load %arg6[%get3A_204] {strides = array<i32>} : memref<4096xf32, #tpu.memory_space<vmem>>, vector<16xf32>,
      %get3A_206 = vector.shape_cast %get3A_205 : vector<16xf32> to vector<16xf32>
      %add3A_207 = arith.addf %get3A_206, %mul3A_199 : vector<16xf32>
      %swap3A_208 = arith.index_cast %add3A_203 : i32 to index
      %swap3A_209 = tpu.vector_load %arg6[%swap3A_208] {strides = array<i32>} : memref<4096xf32, #tpu.memory_space<vmem>>, vector<16xf32>,
      %swap3A_210 = vector.shape_cast %swap3A_209 : vector<16xf32> to vector<16xf32>
      %swap3A_211 = vector.shape_cast %add3A_207 : vector<16xf32> to vector<16xf32>
      tpu.vector_store %arg6[%swap3A_208], %swap3A_211 {strides = array<i32>} : memref<4096xf32, #tpu.memory_space<vmem>>, vector<16xf32>,
      %parallel_loop3A_212 = arith.constant 0 : i32
      %parallel_loop3A_213 = arith.constant 127 : i32
      %parallel_loop3A_214 = arith.constant 1 : i32
      scf.for %parallel_loop3A_403 = %parallel_loop3A_212 to %parallel_loop3A_213 step %parallel_loop3A_214  : i32 {
        %parallel_loop3A_404 = arith.constant 3 : i32
        %parallel_loop3A_405 = arith.shrui %parallel_loop3A_403, %parallel_loop3A_404 : i32
        %parallel_loop3A_406 = arith.constant 10 : i32
        %parallel_loop3A_407 = arith.shli %parallel_loop3A_405, %parallel_loop3A_406 : i32
        %parallel_loop3A_408 = arith.constant 7 : i32
        %parallel_loop3A_409 = arith.andi %parallel_loop3A_403, %parallel_loop3A_408 : i32
        %parallel_loop3A_410 = arith.constant 4 : i32
        %parallel_loop3A_411 = arith.shli %parallel_loop3A_409, %parallel_loop3A_410 : i32
        %parallel_loop3A_412 = arith.addi %parallel_loop3A_407, %parallel_loop3A_411 : i32
        %parallel_loop3A_413 = arith.constant 896 : i32
        %parallel_loop3A_414 = arith.addi %parallel_loop3A_412, %parallel_loop3A_413 : i32
        %parallel_loop3A_415 = arith.index_cast %parallel_loop3A_414 : i32 to index
        %parallel_loop3A_416 = tpu.vector_load %arg4[%parallel_loop3A_415] {strides = array<i32>} : memref<16384xf32, #tpu.memory_space<vmem>>, vector<16xf32>,
        %parallel_loop3A_417 = vector.shape_cast %parallel_loop3A_416 : vector<16xf32> to vector<16xf32>
        %parallel_loop3A_418 = vector.broadcast %select_n3A_77 : f32 to vector<16xf32>
        %parallel_loop3A_419 = arith.mulf %parallel_loop3A_417, %parallel_loop3A_418 : vector<16xf32>
        %parallel_loop3A_420 = arith.constant 7 : i32
        %parallel_loop3A_421 = arith.subi %sub3A_81, %parallel_loop3A_420 : i32
        %parallel_loop3A_422 = arith.constant 16 : i32
        %parallel_loop3A_423 = arith.muli %parallel_loop3A_403, %parallel_loop3A_422 : i32
        %parallel_loop3A_424 = arith.addi %parallel_loop3A_421, %parallel_loop3A_423 : i32
        %parallel_loop3A_425 = arith.index_cast %parallel_loop3A_424 : i32 to index
        %parallel_loop3A_426 = tpu.vector_load %arg6[%parallel_loop3A_425] {strides = array<i32>} : memref<4096xf32, #tpu.memory_space<vmem>>, vector<16xf32>,
        %parallel_loop3A_427 = vector.shape_cast %parallel_loop3A_426 : vector<16xf32> to vector<16xf32>
        %parallel_loop3A_428 = arith.addf %parallel_loop3A_427, %parallel_loop3A_419 : vector<16xf32>
        %parallel_loop3A_429 = arith.index_cast %parallel_loop3A_424 : i32 to index
        %parallel_loop3A_430 = tpu.vector_load %arg6[%parallel_loop3A_429] {strides = array<i32>} : memref<4096xf32, #tpu.memory_space<vmem>>, vector<16xf32>,
        %parallel_loop3A_431 = vector.shape_cast %parallel_loop3A_430 : vector<16xf32> to vector<16xf32>
        %parallel_loop3A_432 = vector.shape_cast %parallel_loop3A_428 : vector<16xf32> to vector<16xf32>
        tpu.vector_store %arg6[%parallel_loop3A_429], %parallel_loop3A_432 {strides = array<i32>} : memref<4096xf32, #tpu.memory_space<vmem>>, vector<16xf32>,
      } {sc.loop_unroll_factor = 4 : i64, sc.parallel_access}
      %get3A_215 = arith.constant 16368 : index
      %get3A_216 = tpu.vector_load %arg4[%get3A_215] {strides = array<i32>} : memref<16384xf32, #tpu.memory_space<vmem>>, vector<16xf32>,
      %get3A_217 = vector.shape_cast %get3A_216 : vector<16xf32> to vector<16xf32>
      %mul3A_218 = arith.mulf %get3A_217, %select_n3A_43 : vector<16xf32>
      %mul3A_219 = vector.broadcast %select_n3A_77 : f32 to vector<16xf32>
      %mul3A_220 = arith.mulf %mul3A_218, %mul3A_219 : vector<16xf32>
      %sub3A_221 = arith.constant 7 : i32
      %sub3A_222 = arith.subi %sub3A_81, %sub3A_221 : i32
      %add3A_223 = arith.constant 2032 : i32
      %add3A_224 = arith.addi %sub3A_222, %add3A_223 : i32
      %get3A_225 = arith.index_cast %add3A_224 : i32 to index
      %get3A_226 = tpu.vector_load %arg6[%get3A_225] {strides = array<i32>} : memref<4096xf32, #tpu.memory_space<vmem>>, vector<16xf32>,
      %get3A_227 = vector.shape_cast %get3A_226 : vector<16xf32> to vector<16xf32>
      %add3A_228 = arith.addf %get3A_227, %mul3A_220 : vector<16xf32>
      %swap3A_229 = arith.index_cast %add3A_224 : i32 to index
      %swap3A_230 = tpu.vector_load %arg6[%swap3A_229] {strides = array<i32>} : memref<4096xf32, #tpu.memory_space<vmem>>, vector<16xf32>,
      %swap3A_231 = vector.shape_cast %swap3A_230 : vector<16xf32> to vector<16xf32>
      %swap3A_232 = vector.shape_cast %add3A_228 : vector<16xf32> to vector<16xf32>
      tpu.vector_store %arg6[%swap3A_229], %swap3A_232 {strides = array<i32>} : memref<4096xf32, #tpu.memory_space<vmem>>, vector<16xf32>,
      %dma_wait3A_233 = arith.constant 0 : i32
      %dma_wait3A_234 = tpu.memref_slice %arg2[%dma_wait3A_233] : memref<16777216xf32, #tpu.memory_space<hbm>> -> memref<16384xf32, #tpu.memory_space<hbm>>
      %dma_wait3A_235 = arith.constant 0 : i32
      %dma_wait3A_236 = tpu.memref_slice %arg2[%dma_wait3A_235] : memref<16777216xf32, #tpu.memory_space<hbm>> -> memref<16384xf32, #tpu.memory_space<hbm>>
      tpu.wait_dma2 semaphore(%arg8 : memref<!tpu.dma_semaphore, #tpu.memory_space<semaphore_mem>>) src(%dma_wait3A_236 : memref<16384xf32, #tpu.memory_space<hbm>>) dst(%arg5 : memref<16384xf32, #tpu.memory_space<vmem>>)
      %lt3A_237 = arith.constant 15 : i32
      %lt3A_238 = arith.cmpi slt, %scan3A_59, %lt3A_237 : i32
      %convert_element_type3A = arith.extui %lt3A_238 : i1 to i32
      %cond3A = arith.constant 0 : i32
      %cond3A_239 = arith.cmpi ne, %convert_element_type3A, %cond3A : i32
      scf.if %cond3A_239 {
        %add3A_403 = arith.constant 2 : i32
        %add3A_404 = arith.addi %add3A_62, %add3A_403 : i32
        %mul3A_405 = arith.constant 16384 : i32
        %mul3A_406 = arith.muli %add3A_404, %mul3A_405 : i32
        %add3A_407 = arith.addi %mul3A_34, %mul3A_406 : i32
        %dma_start3A_408 = tpu.memref_slice %arg2[%add3A_407] : memref<16777216xf32, #tpu.memory_space<hbm>> -> memref<16384xf32, #tpu.memory_space<hbm>>
        %dma_start3A_409 = tpu.memref_slice %arg2[%add3A_407] : memref<16777216xf32, #tpu.memory_space<hbm>> -> memref<16384xf32, #tpu.memory_space<hbm>>
        tpu.enqueue_dma source(%dma_start3A_409 : memref<16384xf32, #tpu.memory_space<hbm>>) target(%arg4 : memref<16384xf32, #tpu.memory_space<vmem>>) target_semaphore(%arg7 : memref<!tpu.dma_semaphore, #tpu.memory_space<semaphore_mem>>)
      } else {
      }
      %eq3A_240 = arith.constant 255 : i32
      %eq3A_241 = arith.cmpi eq, %add3A_64, %eq3A_240 : i32
      %jit3A_242 = arith.constant 0.000000e+00 : f32
      %jit3A_243 = arith.constant 1.000000e+00 : f32
      %select_n3A_244 = arith.select %eq3A_241, %jit3A_242, %jit3A_243 : f32
      %mul3A_245 = arith.constant 8 : i32
      %mul3A_246 = arith.muli %mul3A_245, %add3A_64 : i32
      %sub3A_247 = arith.constant 2047 : i32
      %sub3A_248 = arith.subi %sub3A_247, %mul3A_246 : i32
      %parallel_loop3A_249 = arith.constant 0 : i32
      %parallel_loop3A_250 = arith.constant 127 : i32
      %parallel_loop3A_251 = arith.constant 1 : i32
      scf.for %parallel_loop3A_403 = %parallel_loop3A_249 to %parallel_loop3A_250 step %parallel_loop3A_251  : i32 {
        %parallel_loop3A_404 = arith.constant 3 : i32
        %parallel_loop3A_405 = arith.shrui %parallel_loop3A_403, %parallel_loop3A_404 : i32
        %parallel_loop3A_406 = arith.constant 10 : i32
        %parallel_loop3A_407 = arith.shli %parallel_loop3A_405, %parallel_loop3A_406 : i32
        %parallel_loop3A_408 = arith.constant 7 : i32
        %parallel_loop3A_409 = arith.andi %parallel_loop3A_403, %parallel_loop3A_408 : i32
        %parallel_loop3A_410 = arith.constant 4 : i32
        %parallel_loop3A_411 = arith.shli %parallel_loop3A_409, %parallel_loop3A_410 : i32
        %parallel_loop3A_412 = arith.addi %parallel_loop3A_407, %parallel_loop3A_411 : i32
        %parallel_loop3A_413 = arith.constant 0 : i32
        %parallel_loop3A_414 = arith.addi %parallel_loop3A_412, %parallel_loop3A_413 : i32
        %parallel_loop3A_415 = arith.index_cast %parallel_loop3A_414 : i32 to index
        %parallel_loop3A_416 = tpu.vector_load %arg5[%parallel_loop3A_415] {strides = array<i32>} : memref<16384xf32, #tpu.memory_space<vmem>>, vector<16xf32>,
        %parallel_loop3A_417 = vector.shape_cast %parallel_loop3A_416 : vector<16xf32> to vector<16xf32>
        %parallel_loop3A_418 = arith.constant 0 : i32
        %parallel_loop3A_419 = arith.subi %sub3A_248, %parallel_loop3A_418 : i32
        %parallel_loop3A_420 = arith.constant 16 : i32
        %parallel_loop3A_421 = arith.muli %parallel_loop3A_403, %parallel_loop3A_420 : i32
        %parallel_loop3A_422 = arith.addi %parallel_loop3A_419, %parallel_loop3A_421 : i32
        %parallel_loop3A_423 = arith.index_cast %parallel_loop3A_422 : i32 to index
        %parallel_loop3A_424 = tpu.vector_load %arg6[%parallel_loop3A_423] {strides = array<i32>} : memref<4096xf32, #tpu.memory_space<vmem>>, vector<16xf32>,
        %parallel_loop3A_425 = vector.shape_cast %parallel_loop3A_424 : vector<16xf32> to vector<16xf32>
        %parallel_loop3A_426 = arith.addf %parallel_loop3A_425, %parallel_loop3A_417 : vector<16xf32>
        %parallel_loop3A_427 = arith.index_cast %parallel_loop3A_422 : i32 to index
        %parallel_loop3A_428 = tpu.vector_load %arg6[%parallel_loop3A_427] {strides = array<i32>} : memref<4096xf32, #tpu.memory_space<vmem>>, vector<16xf32>,
        %parallel_loop3A_429 = vector.shape_cast %parallel_loop3A_428 : vector<16xf32> to vector<16xf32>
        %parallel_loop3A_430 = vector.shape_cast %parallel_loop3A_426 : vector<16xf32> to vector<16xf32>
        tpu.vector_store %arg6[%parallel_loop3A_427], %parallel_loop3A_430 {strides = array<i32>} : memref<4096xf32, #tpu.memory_space<vmem>>, vector<16xf32>,
      } {sc.loop_unroll_factor = 4 : i64, sc.parallel_access}
      %get3A_252 = arith.constant 15472 : index
      %get3A_253 = tpu.vector_load %arg5[%get3A_252] {strides = array<i32>} : memref<16384xf32, #tpu.memory_space<vmem>>, vector<16xf32>,
      %get3A_254 = vector.shape_cast %get3A_253 : vector<16xf32> to vector<16xf32>
      %mul3A_255 = arith.mulf %get3A_254, %select_n3A_43 : vector<16xf32>
      %sub3A_256 = arith.constant 0 : i32
      %sub3A_257 = arith.subi %sub3A_248, %sub3A_256 : i32
      %add3A_258 = arith.constant 2032 : i32
      %add3A_259 = arith.addi %sub3A_257, %add3A_258 : i32
      %get3A_260 = arith.index_cast %add3A_259 : i32 to index
      %get3A_261 = tpu.vector_load %arg6[%get3A_260] {strides = array<i32>} : memref<4096xf32, #tpu.memory_space<vmem>>, vector<16xf32>,
      %get3A_262 = vector.shape_cast %get3A_261 : vector<16xf32> to vector<16xf32>
      %add3A_263 = arith.addf %get3A_262, %mul3A_255 : vector<16xf32>
      %swap3A_264 = arith.index_cast %add3A_259 : i32 to index
      %swap3A_265 = tpu.vector_load %arg6[%swap3A_264] {strides = array<i32>} : memref<4096xf32, #tpu.memory_space<vmem>>, vector<16xf32>,
      %swap3A_266 = vector.shape_cast %swap3A_265 : vector<16xf32> to vector<16xf32>
      %swap3A_267 = vector.shape_cast %add3A_263 : vector<16xf32> to vector<16xf32>
      tpu.vector_store %arg6[%swap3A_264], %swap3A_267 {strides = array<i32>} : memref<4096xf32, #tpu.memory_space<vmem>>, vector<16xf32>,
      %parallel_loop3A_268 = arith.constant 0 : i32
      %parallel_loop3A_269 = arith.constant 127 : i32
      %parallel_loop3A_270 = arith.constant 1 : i32
      scf.for %parallel_loop3A_403 = %parallel_loop3A_268 to %parallel_loop3A_269 step %parallel_loop3A_270  : i32 {
        %parallel_loop3A_404 = arith.constant 3 : i32
        %parallel_loop3A_405 = arith.shrui %parallel_loop3A_403, %parallel_loop3A_404 : i32
        %parallel_loop3A_406 = arith.constant 10 : i32
        %parallel_loop3A_407 = arith.shli %parallel_loop3A_405, %parallel_loop3A_406 : i32
        %parallel_loop3A_408 = arith.constant 7 : i32
        %parallel_loop3A_409 = arith.andi %parallel_loop3A_403, %parallel_loop3A_408 : i32
        %parallel_loop3A_410 = arith.constant 4 : i32
        %parallel_loop3A_411 = arith.shli %parallel_loop3A_409, %parallel_loop3A_410 : i32
        %parallel_loop3A_412 = arith.addi %parallel_loop3A_407, %parallel_loop3A_411 : i32
        %parallel_loop3A_413 = arith.constant 128 : i32
        %parallel_loop3A_414 = arith.addi %parallel_loop3A_412, %parallel_loop3A_413 : i32
        %parallel_loop3A_415 = arith.index_cast %parallel_loop3A_414 : i32 to index
        %parallel_loop3A_416 = tpu.vector_load %arg5[%parallel_loop3A_415] {strides = array<i32>} : memref<16384xf32, #tpu.memory_space<vmem>>, vector<16xf32>,
        %parallel_loop3A_417 = vector.shape_cast %parallel_loop3A_416 : vector<16xf32> to vector<16xf32>
        %parallel_loop3A_418 = arith.constant 1 : i32
        %parallel_loop3A_419 = arith.subi %sub3A_248, %parallel_loop3A_418 : i32
        %parallel_loop3A_420 = arith.constant 16 : i32
        %parallel_loop3A_421 = arith.muli %parallel_loop3A_403, %parallel_loop3A_420 : i32
        %parallel_loop3A_422 = arith.addi %parallel_loop3A_419, %parallel_loop3A_421 : i32
        %parallel_loop3A_423 = arith.index_cast %parallel_loop3A_422 : i32 to index
        %parallel_loop3A_424 = tpu.vector_load %arg6[%parallel_loop3A_423] {strides = array<i32>} : memref<4096xf32, #tpu.memory_space<vmem>>, vector<16xf32>,
        %parallel_loop3A_425 = vector.shape_cast %parallel_loop3A_424 : vector<16xf32> to vector<16xf32>
        %parallel_loop3A_426 = arith.addf %parallel_loop3A_425, %parallel_loop3A_417 : vector<16xf32>
        %parallel_loop3A_427 = arith.index_cast %parallel_loop3A_422 : i32 to index
        %parallel_loop3A_428 = tpu.vector_load %arg6[%parallel_loop3A_427] {strides = array<i32>} : memref<4096xf32, #tpu.memory_space<vmem>>, vector<16xf32>,
        %parallel_loop3A_429 = vector.shape_cast %parallel_loop3A_428 : vector<16xf32> to vector<16xf32>
        %parallel_loop3A_430 = vector.shape_cast %parallel_loop3A_426 : vector<16xf32> to vector<16xf32>
        tpu.vector_store %arg6[%parallel_loop3A_427], %parallel_loop3A_430 {strides = array<i32>} : memref<4096xf32, #tpu.memory_space<vmem>>, vector<16xf32>,
      } {sc.loop_unroll_factor = 4 : i64, sc.parallel_access}
      %get3A_271 = arith.constant 15600 : index
      %get3A_272 = tpu.vector_load %arg5[%get3A_271] {strides = array<i32>} : memref<16384xf32, #tpu.memory_space<vmem>>, vector<16xf32>,
      %get3A_273 = vector.shape_cast %get3A_272 : vector<16xf32> to vector<16xf32>
      %mul3A_274 = arith.mulf %get3A_273, %select_n3A_43 : vector<16xf32>
      %sub3A_275 = arith.constant 1 : i32
      %sub3A_276 = arith.subi %sub3A_248, %sub3A_275 : i32
      %add3A_277 = arith.constant 2032 : i32
      %add3A_278 = arith.addi %sub3A_276, %add3A_277 : i32
      %get3A_279 = arith.index_cast %add3A_278 : i32 to index
      %get3A_280 = tpu.vector_load %arg6[%get3A_279] {strides = array<i32>} : memref<4096xf32, #tpu.memory_space<vmem>>, vector<16xf32>,
      %get3A_281 = vector.shape_cast %get3A_280 : vector<16xf32> to vector<16xf32>
      %add3A_282 = arith.addf %get3A_281, %mul3A_274 : vector<16xf32>
      %swap3A_283 = arith.index_cast %add3A_278 : i32 to index
      %swap3A_284 = tpu.vector_load %arg6[%swap3A_283] {strides = array<i32>} : memref<4096xf32, #tpu.memory_space<vmem>>, vector<16xf32>,
      %swap3A_285 = vector.shape_cast %swap3A_284 : vector<16xf32> to vector<16xf32>
      %swap3A_286 = vector.shape_cast %add3A_282 : vector<16xf32> to vector<16xf32>
      tpu.vector_store %arg6[%swap3A_283], %swap3A_286 {strides = array<i32>} : memref<4096xf32, #tpu.memory_space<vmem>>, vector<16xf32>,
      %parallel_loop3A_287 = arith.constant 0 : i32
      %parallel_loop3A_288 = arith.constant 127 : i32
      %parallel_loop3A_289 = arith.constant 1 : i32
      scf.for %parallel_loop3A_403 = %parallel_loop3A_287 to %parallel_loop3A_288 step %parallel_loop3A_289  : i32 {
        %parallel_loop3A_404 = arith.constant 3 : i32
        %parallel_loop3A_405 = arith.shrui %parallel_loop3A_403, %parallel_loop3A_404 : i32
        %parallel_loop3A_406 = arith.constant 10 : i32
        %parallel_loop3A_407 = arith.shli %parallel_loop3A_405, %parallel_loop3A_406 : i32
        %parallel_loop3A_408 = arith.constant 7 : i32
        %parallel_loop3A_409 = arith.andi %parallel_loop3A_403, %parallel_loop3A_408 : i32
        %parallel_loop3A_410 = arith.constant 4 : i32
        %parallel_loop3A_411 = arith.shli %parallel_loop3A_409, %parallel_loop3A_410 : i32
        %parallel_loop3A_412 = arith.addi %parallel_loop3A_407, %parallel_loop3A_411 : i32
        %parallel_loop3A_413 = arith.constant 256 : i32
        %parallel_loop3A_414 = arith.addi %parallel_loop3A_412, %parallel_loop3A_413 : i32
        %parallel_loop3A_415 = arith.index_cast %parallel_loop3A_414 : i32 to index
        %parallel_loop3A_416 = tpu.vector_load %arg5[%parallel_loop3A_415] {strides = array<i32>} : memref<16384xf32, #tpu.memory_space<vmem>>, vector<16xf32>,
        %parallel_loop3A_417 = vector.shape_cast %parallel_loop3A_416 : vector<16xf32> to vector<16xf32>
        %parallel_loop3A_418 = arith.constant 2 : i32
        %parallel_loop3A_419 = arith.subi %sub3A_248, %parallel_loop3A_418 : i32
        %parallel_loop3A_420 = arith.constant 16 : i32
        %parallel_loop3A_421 = arith.muli %parallel_loop3A_403, %parallel_loop3A_420 : i32
        %parallel_loop3A_422 = arith.addi %parallel_loop3A_419, %parallel_loop3A_421 : i32
        %parallel_loop3A_423 = arith.index_cast %parallel_loop3A_422 : i32 to index
        %parallel_loop3A_424 = tpu.vector_load %arg6[%parallel_loop3A_423] {strides = array<i32>} : memref<4096xf32, #tpu.memory_space<vmem>>, vector<16xf32>,
        %parallel_loop3A_425 = vector.shape_cast %parallel_loop3A_424 : vector<16xf32> to vector<16xf32>
        %parallel_loop3A_426 = arith.addf %parallel_loop3A_425, %parallel_loop3A_417 : vector<16xf32>
        %parallel_loop3A_427 = arith.index_cast %parallel_loop3A_422 : i32 to index
        %parallel_loop3A_428 = tpu.vector_load %arg6[%parallel_loop3A_427] {strides = array<i32>} : memref<4096xf32, #tpu.memory_space<vmem>>, vector<16xf32>,
        %parallel_loop3A_429 = vector.shape_cast %parallel_loop3A_428 : vector<16xf32> to vector<16xf32>
        %parallel_loop3A_430 = vector.shape_cast %parallel_loop3A_426 : vector<16xf32> to vector<16xf32>
        tpu.vector_store %arg6[%parallel_loop3A_427], %parallel_loop3A_430 {strides = array<i32>} : memref<4096xf32, #tpu.memory_space<vmem>>, vector<16xf32>,
      } {sc.loop_unroll_factor = 4 : i64, sc.parallel_access}
      %get3A_290 = arith.constant 15728 : index
      %get3A_291 = tpu.vector_load %arg5[%get3A_290] {strides = array<i32>} : memref<16384xf32, #tpu.memory_space<vmem>>, vector<16xf32>,
      %get3A_292 = vector.shape_cast %get3A_291 : vector<16xf32> to vector<16xf32>
      %mul3A_293 = arith.mulf %get3A_292, %select_n3A_43 : vector<16xf32>
      %sub3A_294 = arith.constant 2 : i32
      %sub3A_295 = arith.subi %sub3A_248, %sub3A_294 : i32
      %add3A_296 = arith.constant 2032 : i32
      %add3A_297 = arith.addi %sub3A_295, %add3A_296 : i32
      %get3A_298 = arith.index_cast %add3A_297 : i32 to index
      %get3A_299 = tpu.vector_load %arg6[%get3A_298] {strides = array<i32>} : memref<4096xf32, #tpu.memory_space<vmem>>, vector<16xf32>,
      %get3A_300 = vector.shape_cast %get3A_299 : vector<16xf32> to vector<16xf32>
      %add3A_301 = arith.addf %get3A_300, %mul3A_293 : vector<16xf32>
      %swap3A_302 = arith.index_cast %add3A_297 : i32 to index
      %swap3A_303 = tpu.vector_load %arg6[%swap3A_302] {strides = array<i32>} : memref<4096xf32, #tpu.memory_space<vmem>>, vector<16xf32>,
      %swap3A_304 = vector.shape_cast %swap3A_303 : vector<16xf32> to vector<16xf32>
      %swap3A_305 = vector.shape_cast %add3A_301 : vector<16xf32> to vector<16xf32>
      tpu.vector_store %arg6[%swap3A_302], %swap3A_305 {strides = array<i32>} : memref<4096xf32, #tpu.memory_space<vmem>>, vector<16xf32>,
      %parallel_loop3A_306 = arith.constant 0 : i32
      %parallel_loop3A_307 = arith.constant 127 : i32
      %parallel_loop3A_308 = arith.constant 1 : i32
      scf.for %parallel_loop3A_403 = %parallel_loop3A_306 to %parallel_loop3A_307 step %parallel_loop3A_308  : i32 {
        %parallel_loop3A_404 = arith.constant 3 : i32
        %parallel_loop3A_405 = arith.shrui %parallel_loop3A_403, %parallel_loop3A_404 : i32
        %parallel_loop3A_406 = arith.constant 10 : i32
        %parallel_loop3A_407 = arith.shli %parallel_loop3A_405, %parallel_loop3A_406 : i32
        %parallel_loop3A_408 = arith.constant 7 : i32
        %parallel_loop3A_409 = arith.andi %parallel_loop3A_403, %parallel_loop3A_408 : i32
        %parallel_loop3A_410 = arith.constant 4 : i32
        %parallel_loop3A_411 = arith.shli %parallel_loop3A_409, %parallel_loop3A_410 : i32
        %parallel_loop3A_412 = arith.addi %parallel_loop3A_407, %parallel_loop3A_411 : i32
        %parallel_loop3A_413 = arith.constant 384 : i32
        %parallel_loop3A_414 = arith.addi %parallel_loop3A_412, %parallel_loop3A_413 : i32
        %parallel_loop3A_415 = arith.index_cast %parallel_loop3A_414 : i32 to index
        %parallel_loop3A_416 = tpu.vector_load %arg5[%parallel_loop3A_415] {strides = array<i32>} : memref<16384xf32, #tpu.memory_space<vmem>>, vector<16xf32>,
        %parallel_loop3A_417 = vector.shape_cast %parallel_loop3A_416 : vector<16xf32> to vector<16xf32>
        %parallel_loop3A_418 = arith.constant 3 : i32
        %parallel_loop3A_419 = arith.subi %sub3A_248, %parallel_loop3A_418 : i32
        %parallel_loop3A_420 = arith.constant 16 : i32
        %parallel_loop3A_421 = arith.muli %parallel_loop3A_403, %parallel_loop3A_420 : i32
        %parallel_loop3A_422 = arith.addi %parallel_loop3A_419, %parallel_loop3A_421 : i32
        %parallel_loop3A_423 = arith.index_cast %parallel_loop3A_422 : i32 to index
        %parallel_loop3A_424 = tpu.vector_load %arg6[%parallel_loop3A_423] {strides = array<i32>} : memref<4096xf32, #tpu.memory_space<vmem>>, vector<16xf32>,
        %parallel_loop3A_425 = vector.shape_cast %parallel_loop3A_424 : vector<16xf32> to vector<16xf32>
        %parallel_loop3A_426 = arith.addf %parallel_loop3A_425, %parallel_loop3A_417 : vector<16xf32>
        %parallel_loop3A_427 = arith.index_cast %parallel_loop3A_422 : i32 to index
        %parallel_loop3A_428 = tpu.vector_load %arg6[%parallel_loop3A_427] {strides = array<i32>} : memref<4096xf32, #tpu.memory_space<vmem>>, vector<16xf32>,
        %parallel_loop3A_429 = vector.shape_cast %parallel_loop3A_428 : vector<16xf32> to vector<16xf32>
        %parallel_loop3A_430 = vector.shape_cast %parallel_loop3A_426 : vector<16xf32> to vector<16xf32>
        tpu.vector_store %arg6[%parallel_loop3A_427], %parallel_loop3A_430 {strides = array<i32>} : memref<4096xf32, #tpu.memory_space<vmem>>, vector<16xf32>,
      } {sc.loop_unroll_factor = 4 : i64, sc.parallel_access}
      %get3A_309 = arith.constant 15856 : index
      %get3A_310 = tpu.vector_load %arg5[%get3A_309] {strides = array<i32>} : memref<16384xf32, #tpu.memory_space<vmem>>, vector<16xf32>,
      %get3A_311 = vector.shape_cast %get3A_310 : vector<16xf32> to vector<16xf32>
      %mul3A_312 = arith.mulf %get3A_311, %select_n3A_43 : vector<16xf32>
      %sub3A_313 = arith.constant 3 : i32
      %sub3A_314 = arith.subi %sub3A_248, %sub3A_313 : i32
      %add3A_315 = arith.constant 2032 : i32
      %add3A_316 = arith.addi %sub3A_314, %add3A_315 : i32
      %get3A_317 = arith.index_cast %add3A_316 : i32 to index
      %get3A_318 = tpu.vector_load %arg6[%get3A_317] {strides = array<i32>} : memref<4096xf32, #tpu.memory_space<vmem>>, vector<16xf32>,
      %get3A_319 = vector.shape_cast %get3A_318 : vector<16xf32> to vector<16xf32>
      %add3A_320 = arith.addf %get3A_319, %mul3A_312 : vector<16xf32>
      %swap3A_321 = arith.index_cast %add3A_316 : i32 to index
      %swap3A_322 = tpu.vector_load %arg6[%swap3A_321] {strides = array<i32>} : memref<4096xf32, #tpu.memory_space<vmem>>, vector<16xf32>,
      %swap3A_323 = vector.shape_cast %swap3A_322 : vector<16xf32> to vector<16xf32>
      %swap3A_324 = vector.shape_cast %add3A_320 : vector<16xf32> to vector<16xf32>
      tpu.vector_store %arg6[%swap3A_321], %swap3A_324 {strides = array<i32>} : memref<4096xf32, #tpu.memory_space<vmem>>, vector<16xf32>,
      %parallel_loop3A_325 = arith.constant 0 : i32
      %parallel_loop3A_326 = arith.constant 127 : i32
      %parallel_loop3A_327 = arith.constant 1 : i32
      scf.for %parallel_loop3A_403 = %parallel_loop3A_325 to %parallel_loop3A_326 step %parallel_loop3A_327  : i32 {
        %parallel_loop3A_404 = arith.constant 3 : i32
        %parallel_loop3A_405 = arith.shrui %parallel_loop3A_403, %parallel_loop3A_404 : i32
        %parallel_loop3A_406 = arith.constant 10 : i32
        %parallel_loop3A_407 = arith.shli %parallel_loop3A_405, %parallel_loop3A_406 : i32
        %parallel_loop3A_408 = arith.constant 7 : i32
        %parallel_loop3A_409 = arith.andi %parallel_loop3A_403, %parallel_loop3A_408 : i32
        %parallel_loop3A_410 = arith.constant 4 : i32
        %parallel_loop3A_411 = arith.shli %parallel_loop3A_409, %parallel_loop3A_410 : i32
        %parallel_loop3A_412 = arith.addi %parallel_loop3A_407, %parallel_loop3A_411 : i32
        %parallel_loop3A_413 = arith.constant 512 : i32
        %parallel_loop3A_414 = arith.addi %parallel_loop3A_412, %parallel_loop3A_413 : i32
        %parallel_loop3A_415 = arith.index_cast %parallel_loop3A_414 : i32 to index
        %parallel_loop3A_416 = tpu.vector_load %arg5[%parallel_loop3A_415] {strides = array<i32>} : memref<16384xf32, #tpu.memory_space<vmem>>, vector<16xf32>,
        %parallel_loop3A_417 = vector.shape_cast %parallel_loop3A_416 : vector<16xf32> to vector<16xf32>
        %parallel_loop3A_418 = arith.constant 4 : i32
        %parallel_loop3A_419 = arith.subi %sub3A_248, %parallel_loop3A_418 : i32
        %parallel_loop3A_420 = arith.constant 16 : i32
        %parallel_loop3A_421 = arith.muli %parallel_loop3A_403, %parallel_loop3A_420 : i32
        %parallel_loop3A_422 = arith.addi %parallel_loop3A_419, %parallel_loop3A_421 : i32
        %parallel_loop3A_423 = arith.index_cast %parallel_loop3A_422 : i32 to index
        %parallel_loop3A_424 = tpu.vector_load %arg6[%parallel_loop3A_423] {strides = array<i32>} : memref<4096xf32, #tpu.memory_space<vmem>>, vector<16xf32>,
        %parallel_loop3A_425 = vector.shape_cast %parallel_loop3A_424 : vector<16xf32> to vector<16xf32>
        %parallel_loop3A_426 = arith.addf %parallel_loop3A_425, %parallel_loop3A_417 : vector<16xf32>
        %parallel_loop3A_427 = arith.index_cast %parallel_loop3A_422 : i32 to index
        %parallel_loop3A_428 = tpu.vector_load %arg6[%parallel_loop3A_427] {strides = array<i32>} : memref<4096xf32, #tpu.memory_space<vmem>>, vector<16xf32>,
        %parallel_loop3A_429 = vector.shape_cast %parallel_loop3A_428 : vector<16xf32> to vector<16xf32>
        %parallel_loop3A_430 = vector.shape_cast %parallel_loop3A_426 : vector<16xf32> to vector<16xf32>
        tpu.vector_store %arg6[%parallel_loop3A_427], %parallel_loop3A_430 {strides = array<i32>} : memref<4096xf32, #tpu.memory_space<vmem>>, vector<16xf32>,
      } {sc.loop_unroll_factor = 4 : i64, sc.parallel_access}
      %get3A_328 = arith.constant 15984 : index
      %get3A_329 = tpu.vector_load %arg5[%get3A_328] {strides = array<i32>} : memref<16384xf32, #tpu.memory_space<vmem>>, vector<16xf32>,
      %get3A_330 = vector.shape_cast %get3A_329 : vector<16xf32> to vector<16xf32>
      %mul3A_331 = arith.mulf %get3A_330, %select_n3A_43 : vector<16xf32>
      %sub3A_332 = arith.constant 4 : i32
      %sub3A_333 = arith.subi %sub3A_248, %sub3A_332 : i32
      %add3A_334 = arith.constant 2032 : i32
      %add3A_335 = arith.addi %sub3A_333, %add3A_334 : i32
      %get3A_336 = arith.index_cast %add3A_335 : i32 to index
      %get3A_337 = tpu.vector_load %arg6[%get3A_336] {strides = array<i32>} : memref<4096xf32, #tpu.memory_space<vmem>>, vector<16xf32>,
      %get3A_338 = vector.shape_cast %get3A_337 : vector<16xf32> to vector<16xf32>
      %add3A_339 = arith.addf %get3A_338, %mul3A_331 : vector<16xf32>
      %swap3A_340 = arith.index_cast %add3A_335 : i32 to index
      %swap3A_341 = tpu.vector_load %arg6[%swap3A_340] {strides = array<i32>} : memref<4096xf32, #tpu.memory_space<vmem>>, vector<16xf32>,
      %swap3A_342 = vector.shape_cast %swap3A_341 : vector<16xf32> to vector<16xf32>
      %swap3A_343 = vector.shape_cast %add3A_339 : vector<16xf32> to vector<16xf32>
      tpu.vector_store %arg6[%swap3A_340], %swap3A_343 {strides = array<i32>} : memref<4096xf32, #tpu.memory_space<vmem>>, vector<16xf32>,
      %parallel_loop3A_344 = arith.constant 0 : i32
      %parallel_loop3A_345 = arith.constant 127 : i32
      %parallel_loop3A_346 = arith.constant 1 : i32
      scf.for %parallel_loop3A_403 = %parallel_loop3A_344 to %parallel_loop3A_345 step %parallel_loop3A_346  : i32 {
        %parallel_loop3A_404 = arith.constant 3 : i32
        %parallel_loop3A_405 = arith.shrui %parallel_loop3A_403, %parallel_loop3A_404 : i32
        %parallel_loop3A_406 = arith.constant 10 : i32
        %parallel_loop3A_407 = arith.shli %parallel_loop3A_405, %parallel_loop3A_406 : i32
        %parallel_loop3A_408 = arith.constant 7 : i32
        %parallel_loop3A_409 = arith.andi %parallel_loop3A_403, %parallel_loop3A_408 : i32
        %parallel_loop3A_410 = arith.constant 4 : i32
        %parallel_loop3A_411 = arith.shli %parallel_loop3A_409, %parallel_loop3A_410 : i32
        %parallel_loop3A_412 = arith.addi %parallel_loop3A_407, %parallel_loop3A_411 : i32
        %parallel_loop3A_413 = arith.constant 640 : i32
        %parallel_loop3A_414 = arith.addi %parallel_loop3A_412, %parallel_loop3A_413 : i32
        %parallel_loop3A_415 = arith.index_cast %parallel_loop3A_414 : i32 to index
        %parallel_loop3A_416 = tpu.vector_load %arg5[%parallel_loop3A_415] {strides = array<i32>} : memref<16384xf32, #tpu.memory_space<vmem>>, vector<16xf32>,
        %parallel_loop3A_417 = vector.shape_cast %parallel_loop3A_416 : vector<16xf32> to vector<16xf32>
        %parallel_loop3A_418 = arith.constant 5 : i32
        %parallel_loop3A_419 = arith.subi %sub3A_248, %parallel_loop3A_418 : i32
        %parallel_loop3A_420 = arith.constant 16 : i32
        %parallel_loop3A_421 = arith.muli %parallel_loop3A_403, %parallel_loop3A_420 : i32
        %parallel_loop3A_422 = arith.addi %parallel_loop3A_419, %parallel_loop3A_421 : i32
        %parallel_loop3A_423 = arith.index_cast %parallel_loop3A_422 : i32 to index
        %parallel_loop3A_424 = tpu.vector_load %arg6[%parallel_loop3A_423] {strides = array<i32>} : memref<4096xf32, #tpu.memory_space<vmem>>, vector<16xf32>,
        %parallel_loop3A_425 = vector.shape_cast %parallel_loop3A_424 : vector<16xf32> to vector<16xf32>
        %parallel_loop3A_426 = arith.addf %parallel_loop3A_425, %parallel_loop3A_417 : vector<16xf32>
        %parallel_loop3A_427 = arith.index_cast %parallel_loop3A_422 : i32 to index
        %parallel_loop3A_428 = tpu.vector_load %arg6[%parallel_loop3A_427] {strides = array<i32>} : memref<4096xf32, #tpu.memory_space<vmem>>, vector<16xf32>,
        %parallel_loop3A_429 = vector.shape_cast %parallel_loop3A_428 : vector<16xf32> to vector<16xf32>
        %parallel_loop3A_430 = vector.shape_cast %parallel_loop3A_426 : vector<16xf32> to vector<16xf32>
        tpu.vector_store %arg6[%parallel_loop3A_427], %parallel_loop3A_430 {strides = array<i32>} : memref<4096xf32, #tpu.memory_space<vmem>>, vector<16xf32>,
      } {sc.loop_unroll_factor = 4 : i64, sc.parallel_access}
      %get3A_347 = arith.constant 16112 : index
      %get3A_348 = tpu.vector_load %arg5[%get3A_347] {strides = array<i32>} : memref<16384xf32, #tpu.memory_space<vmem>>, vector<16xf32>,
      %get3A_349 = vector.shape_cast %get3A_348 : vector<16xf32> to vector<16xf32>
      %mul3A_350 = arith.mulf %get3A_349, %select_n3A_43 : vector<16xf32>
      %sub3A_351 = arith.constant 5 : i32
      %sub3A_352 = arith.subi %sub3A_248, %sub3A_351 : i32
      %add3A_353 = arith.constant 2032 : i32
      %add3A_354 = arith.addi %sub3A_352, %add3A_353 : i32
      %get3A_355 = arith.index_cast %add3A_354 : i32 to index
      %get3A_356 = tpu.vector_load %arg6[%get3A_355] {strides = array<i32>} : memref<4096xf32, #tpu.memory_space<vmem>>, vector<16xf32>,
      %get3A_357 = vector.shape_cast %get3A_356 : vector<16xf32> to vector<16xf32>
      %add3A_358 = arith.addf %get3A_357, %mul3A_350 : vector<16xf32>
      %swap3A_359 = arith.index_cast %add3A_354 : i32 to index
      %swap3A_360 = tpu.vector_load %arg6[%swap3A_359] {strides = array<i32>} : memref<4096xf32, #tpu.memory_space<vmem>>, vector<16xf32>,
      %swap3A_361 = vector.shape_cast %swap3A_360 : vector<16xf32> to vector<16xf32>
      %swap3A_362 = vector.shape_cast %add3A_358 : vector<16xf32> to vector<16xf32>
      tpu.vector_store %arg6[%swap3A_359], %swap3A_362 {strides = array<i32>} : memref<4096xf32, #tpu.memory_space<vmem>>, vector<16xf32>,
      %parallel_loop3A_363 = arith.constant 0 : i32
      %parallel_loop3A_364 = arith.constant 127 : i32
      %parallel_loop3A_365 = arith.constant 1 : i32
      scf.for %parallel_loop3A_403 = %parallel_loop3A_363 to %parallel_loop3A_364 step %parallel_loop3A_365  : i32 {
        %parallel_loop3A_404 = arith.constant 3 : i32
        %parallel_loop3A_405 = arith.shrui %parallel_loop3A_403, %parallel_loop3A_404 : i32
        %parallel_loop3A_406 = arith.constant 10 : i32
        %parallel_loop3A_407 = arith.shli %parallel_loop3A_405, %parallel_loop3A_406 : i32
        %parallel_loop3A_408 = arith.constant 7 : i32
        %parallel_loop3A_409 = arith.andi %parallel_loop3A_403, %parallel_loop3A_408 : i32
        %parallel_loop3A_410 = arith.constant 4 : i32
        %parallel_loop3A_411 = arith.shli %parallel_loop3A_409, %parallel_loop3A_410 : i32
        %parallel_loop3A_412 = arith.addi %parallel_loop3A_407, %parallel_loop3A_411 : i32
        %parallel_loop3A_413 = arith.constant 768 : i32
        %parallel_loop3A_414 = arith.addi %parallel_loop3A_412, %parallel_loop3A_413 : i32
        %parallel_loop3A_415 = arith.index_cast %parallel_loop3A_414 : i32 to index
        %parallel_loop3A_416 = tpu.vector_load %arg5[%parallel_loop3A_415] {strides = array<i32>} : memref<16384xf32, #tpu.memory_space<vmem>>, vector<16xf32>,
        %parallel_loop3A_417 = vector.shape_cast %parallel_loop3A_416 : vector<16xf32> to vector<16xf32>
        %parallel_loop3A_418 = arith.constant 6 : i32
        %parallel_loop3A_419 = arith.subi %sub3A_248, %parallel_loop3A_418 : i32
        %parallel_loop3A_420 = arith.constant 16 : i32
        %parallel_loop3A_421 = arith.muli %parallel_loop3A_403, %parallel_loop3A_420 : i32
        %parallel_loop3A_422 = arith.addi %parallel_loop3A_419, %parallel_loop3A_421 : i32
        %parallel_loop3A_423 = arith.index_cast %parallel_loop3A_422 : i32 to index
        %parallel_loop3A_424 = tpu.vector_load %arg6[%parallel_loop3A_423] {strides = array<i32>} : memref<4096xf32, #tpu.memory_space<vmem>>, vector<16xf32>,
        %parallel_loop3A_425 = vector.shape_cast %parallel_loop3A_424 : vector<16xf32> to vector<16xf32>
        %parallel_loop3A_426 = arith.addf %parallel_loop3A_425, %parallel_loop3A_417 : vector<16xf32>
        %parallel_loop3A_427 = arith.index_cast %parallel_loop3A_422 : i32 to index
        %parallel_loop3A_428 = tpu.vector_load %arg6[%parallel_loop3A_427] {strides = array<i32>} : memref<4096xf32, #tpu.memory_space<vmem>>, vector<16xf32>,
        %parallel_loop3A_429 = vector.shape_cast %parallel_loop3A_428 : vector<16xf32> to vector<16xf32>
        %parallel_loop3A_430 = vector.shape_cast %parallel_loop3A_426 : vector<16xf32> to vector<16xf32>
        tpu.vector_store %arg6[%parallel_loop3A_427], %parallel_loop3A_430 {strides = array<i32>} : memref<4096xf32, #tpu.memory_space<vmem>>, vector<16xf32>,
      } {sc.loop_unroll_factor = 4 : i64, sc.parallel_access}
      %get3A_366 = arith.constant 16240 : index
      %get3A_367 = tpu.vector_load %arg5[%get3A_366] {strides = array<i32>} : memref<16384xf32, #tpu.memory_space<vmem>>, vector<16xf32>,
      %get3A_368 = vector.shape_cast %get3A_367 : vector<16xf32> to vector<16xf32>
      %mul3A_369 = arith.mulf %get3A_368, %select_n3A_43 : vector<16xf32>
      %sub3A_370 = arith.constant 6 : i32
      %sub3A_371 = arith.subi %sub3A_248, %sub3A_370 : i32
      %add3A_372 = arith.constant 2032 : i32
      %add3A_373 = arith.addi %sub3A_371, %add3A_372 : i32
      %get3A_374 = arith.index_cast %add3A_373 : i32 to index
      %get3A_375 = tpu.vector_load %arg6[%get3A_374] {strides = array<i32>} : memref<4096xf32, #tpu.memory_space<vmem>>, vector<16xf32>,
      %get3A_376 = vector.shape_cast %get3A_375 : vector<16xf32> to vector<16xf32>
      %add3A_377 = arith.addf %get3A_376, %mul3A_369 : vector<16xf32>
      %swap3A_378 = arith.index_cast %add3A_373 : i32 to index
      %swap3A_379 = tpu.vector_load %arg6[%swap3A_378] {strides = array<i32>} : memref<4096xf32, #tpu.memory_space<vmem>>, vector<16xf32>,
      %swap3A_380 = vector.shape_cast %swap3A_379 : vector<16xf32> to vector<16xf32>
      %swap3A_381 = vector.shape_cast %add3A_377 : vector<16xf32> to vector<16xf32>
      tpu.vector_store %arg6[%swap3A_378], %swap3A_381 {strides = array<i32>} : memref<4096xf32, #tpu.memory_space<vmem>>, vector<16xf32>,
      %parallel_loop3A_382 = arith.constant 0 : i32
      %parallel_loop3A_383 = arith.constant 127 : i32
      %parallel_loop3A_384 = arith.constant 1 : i32
      scf.for %parallel_loop3A_403 = %parallel_loop3A_382 to %parallel_loop3A_383 step %parallel_loop3A_384  : i32 {
        %parallel_loop3A_404 = arith.constant 3 : i32
        %parallel_loop3A_405 = arith.shrui %parallel_loop3A_403, %parallel_loop3A_404 : i32
        %parallel_loop3A_406 = arith.constant 10 : i32
        %parallel_loop3A_407 = arith.shli %parallel_loop3A_405, %parallel_loop3A_406 : i32
        %parallel_loop3A_408 = arith.constant 7 : i32
        %parallel_loop3A_409 = arith.andi %parallel_loop3A_403, %parallel_loop3A_408 : i32
        %parallel_loop3A_410 = arith.constant 4 : i32
        %parallel_loop3A_411 = arith.shli %parallel_loop3A_409, %parallel_loop3A_410 : i32
        %parallel_loop3A_412 = arith.addi %parallel_loop3A_407, %parallel_loop3A_411 : i32
        %parallel_loop3A_413 = arith.constant 896 : i32
        %parallel_loop3A_414 = arith.addi %parallel_loop3A_412, %parallel_loop3A_413 : i32
        %parallel_loop3A_415 = arith.index_cast %parallel_loop3A_414 : i32 to index
        %parallel_loop3A_416 = tpu.vector_load %arg5[%parallel_loop3A_415] {strides = array<i32>} : memref<16384xf32, #tpu.memory_space<vmem>>, vector<16xf32>,
        %parallel_loop3A_417 = vector.shape_cast %parallel_loop3A_416 : vector<16xf32> to vector<16xf32>
        %parallel_loop3A_418 = vector.broadcast %select_n3A_244 : f32 to vector<16xf32>
        %parallel_loop3A_419 = arith.mulf %parallel_loop3A_417, %parallel_loop3A_418 : vector<16xf32>
        %parallel_loop3A_420 = arith.constant 7 : i32
        %parallel_loop3A_421 = arith.subi %sub3A_248, %parallel_loop3A_420 : i32
        %parallel_loop3A_422 = arith.constant 16 : i32
        %parallel_loop3A_423 = arith.muli %parallel_loop3A_403, %parallel_loop3A_422 : i32
        %parallel_loop3A_424 = arith.addi %parallel_loop3A_421, %parallel_loop3A_423 : i32
        %parallel_loop3A_425 = arith.index_cast %parallel_loop3A_424 : i32 to index
        %parallel_loop3A_426 = tpu.vector_load %arg6[%parallel_loop3A_425] {strides = array<i32>} : memref<4096xf32, #tpu.memory_space<vmem>>, vector<16xf32>,
        %parallel_loop3A_427 = vector.shape_cast %parallel_loop3A_426 : vector<16xf32> to vector<16xf32>
        %parallel_loop3A_428 = arith.addf %parallel_loop3A_427, %parallel_loop3A_419 : vector<16xf32>
        %parallel_loop3A_429 = arith.index_cast %parallel_loop3A_424 : i32 to index
        %parallel_loop3A_430 = tpu.vector_load %arg6[%parallel_loop3A_429] {strides = array<i32>} : memref<4096xf32, #tpu.memory_space<vmem>>, vector<16xf32>,
        %parallel_loop3A_431 = vector.shape_cast %parallel_loop3A_430 : vector<16xf32> to vector<16xf32>
        %parallel_loop3A_432 = vector.shape_cast %parallel_loop3A_428 : vector<16xf32> to vector<16xf32>
        tpu.vector_store %arg6[%parallel_loop3A_429], %parallel_loop3A_432 {strides = array<i32>} : memref<4096xf32, #tpu.memory_space<vmem>>, vector<16xf32>,
      } {sc.loop_unroll_factor = 4 : i64, sc.parallel_access}
      %get3A_385 = arith.constant 16368 : index
      %get3A_386 = tpu.vector_load %arg5[%get3A_385] {strides = array<i32>} : memref<16384xf32, #tpu.memory_space<vmem>>, vector<16xf32>,
      %get3A_387 = vector.shape_cast %get3A_386 : vector<16xf32> to vector<16xf32>
      %mul3A_388 = arith.mulf %get3A_387, %select_n3A_43 : vector<16xf32>
      %mul3A_389 = vector.broadcast %select_n3A_244 : f32 to vector<16xf32>
      %mul3A_390 = arith.mulf %mul3A_388, %mul3A_389 : vector<16xf32>
      %sub3A_391 = arith.constant 7 : i32
      %sub3A_392 = arith.subi %sub3A_248, %sub3A_391 : i32
      %add3A_393 = arith.constant 2032 : i32
      %add3A_394 = arith.addi %sub3A_392, %add3A_393 : i32
      %get3A_395 = arith.index_cast %add3A_394 : i32 to index
      %get3A_396 = tpu.vector_load %arg6[%get3A_395] {strides = array<i32>} : memref<4096xf32, #tpu.memory_space<vmem>>, vector<16xf32>,
      %get3A_397 = vector.shape_cast %get3A_396 : vector<16xf32> to vector<16xf32>
      %add3A_398 = arith.addf %get3A_397, %mul3A_390 : vector<16xf32>
      %swap3A_399 = arith.index_cast %add3A_394 : i32 to index
      %swap3A_400 = tpu.vector_load %arg6[%swap3A_399] {strides = array<i32>} : memref<4096xf32, #tpu.memory_space<vmem>>, vector<16xf32>,
      %swap3A_401 = vector.shape_cast %swap3A_400 : vector<16xf32> to vector<16xf32>
      %swap3A_402 = vector.shape_cast %add3A_398 : vector<16xf32> to vector<16xf32>
      tpu.vector_store %arg6[%swap3A_399], %swap3A_402 {strides = array<i32>} : memref<4096xf32, #tpu.memory_space<vmem>>, vector<16xf32>,
    }
    %scan3A_58 = arith.constant 16 : i32
    "tpu.region"() ({
      %run_scoped3A = tpu.sem_alloc : memref<!tpu.dma_semaphore, #tpu.memory_space<semaphore_mem>>
      %dma_start3A_59 = arith.constant 0 : i32
      %dma_start3A_60 = tpu.memref_slice %arg3[%add3A, %dma_start3A_59] : memref<32x4096xf32, #tpu.memory_space<hbm>> -> memref<1x4096xf32, #tpu.memory_space<hbm>>
      %dma_start3A_61 = tpu.memref_squeeze %dma_start3A_60 : memref<1x4096xf32, #tpu.memory_space<hbm>> -> memref<4096xf32, #tpu.memory_space<hbm>>
      %dma_start3A_62 = arith.constant 0 : i32
      %dma_start3A_63 = tpu.memref_slice %arg3[%add3A, %dma_start3A_62] : memref<32x4096xf32, #tpu.memory_space<hbm>> -> memref<1x4096xf32, #tpu.memory_space<hbm>>
      %dma_start3A_64 = tpu.memref_squeeze %dma_start3A_63 : memref<1x4096xf32, #tpu.memory_space<hbm>> -> memref<4096xf32, #tpu.memory_space<hbm>>
      tpu.enqueue_dma source(%arg6 : memref<4096xf32, #tpu.memory_space<vmem>>) target(%dma_start3A_64 : memref<4096xf32, #tpu.memory_space<hbm>>) target_semaphore(%run_scoped3A : memref<!tpu.dma_semaphore, #tpu.memory_space<semaphore_mem>>)
      %dma_wait3A = arith.constant 0 : i32
      %dma_wait3A_65 = tpu.memref_slice %arg3[%add3A, %dma_wait3A] : memref<32x4096xf32, #tpu.memory_space<hbm>> -> memref<1x4096xf32, #tpu.memory_space<hbm>>
      %dma_wait3A_66 = tpu.memref_squeeze %dma_wait3A_65 : memref<1x4096xf32, #tpu.memory_space<hbm>> -> memref<4096xf32, #tpu.memory_space<hbm>>
      %dma_wait3A_67 = arith.constant 0 : i32
      %dma_wait3A_68 = tpu.memref_slice %arg3[%add3A, %dma_wait3A_67] : memref<32x4096xf32, #tpu.memory_space<hbm>> -> memref<1x4096xf32, #tpu.memory_space<hbm>>
      %dma_wait3A_69 = tpu.memref_squeeze %dma_wait3A_68 : memref<1x4096xf32, #tpu.memory_space<hbm>> -> memref<4096xf32, #tpu.memory_space<hbm>>
      tpu.wait_dma2 semaphore(%run_scoped3A : memref<!tpu.dma_semaphore, #tpu.memory_space<semaphore_mem>>) src(%arg6 : memref<4096xf32, #tpu.memory_space<vmem>>) dst(%dma_wait3A_69 : memref<4096xf32, #tpu.memory_space<hbm>>)
      tpu.yield
    }) : () -> ()
    return
  }
}

module attributes {stable_mosaic.version = 14 : i64} {
  func.func @_finish_kernel(%arg0: memref<32x4096xf32, #tpu.memory_space<vmem>>, %arg1: memref<4x2048xf32, #tpu.memory_space<vmem>>) attributes {dimension_semantics = [], scalar_prefetch = 0 : i64, scratch_operands = 0 : i64, tpu.core_type = #tpu.core_type<tc>} {
    %get3A = arith.constant 0 : index
    %get3A_0 = arith.constant 0 : index
    %get3A_1 = vector.load %arg0[%get3A, %get3A_0] : memref<32x4096xf32, #tpu.memory_space<vmem>>, vector<8x4096xf32>
    %reduce_sum3A = arith.constant dense<0.000000e+00> : vector<4096xf32>
    %reduce_sum3A_2 = vector.multi_reduction <add>, %get3A_1, %reduce_sum3A [0] : vector<8x4096xf32> to vector<4096xf32>
    %broadcast_in_dim3A = vector.shape_cast %reduce_sum3A_2 : vector<4096xf32> to vector<1x4096xf32>
    %slice3A = vector.extract_strided_slice %broadcast_in_dim3A {offsets = [0, 1023], sizes = [1, 2048], strides = [1, 1]} : vector<1x4096xf32> to vector<1x2048xf32>
    %get3A_3 = arith.constant 8 : index
    %get3A_4 = arith.constant 0 : index
    %get3A_5 = vector.load %arg0[%get3A_3, %get3A_4] : memref<32x4096xf32, #tpu.memory_space<vmem>>, vector<8x4096xf32>
    %reduce_sum3A_6 = arith.constant dense<0.000000e+00> : vector<4096xf32>
    %reduce_sum3A_7 = vector.multi_reduction <add>, %get3A_5, %reduce_sum3A_6 [0] : vector<8x4096xf32> to vector<4096xf32>
    %broadcast_in_dim3A_8 = vector.shape_cast %reduce_sum3A_7 : vector<4096xf32> to vector<1x4096xf32>
    %slice3A_9 = vector.extract_strided_slice %broadcast_in_dim3A_8 {offsets = [0, 1023], sizes = [1, 2048], strides = [1, 1]} : vector<1x4096xf32> to vector<1x2048xf32>
    %get3A_10 = arith.constant 16 : index
    %get3A_11 = arith.constant 0 : index
    %get3A_12 = vector.load %arg0[%get3A_10, %get3A_11] : memref<32x4096xf32, #tpu.memory_space<vmem>>, vector<8x4096xf32>
    %reduce_sum3A_13 = arith.constant dense<0.000000e+00> : vector<4096xf32>
    %reduce_sum3A_14 = vector.multi_reduction <add>, %get3A_12, %reduce_sum3A_13 [0] : vector<8x4096xf32> to vector<4096xf32>
    %broadcast_in_dim3A_15 = vector.shape_cast %reduce_sum3A_14 : vector<4096xf32> to vector<1x4096xf32>
    %slice3A_16 = vector.extract_strided_slice %broadcast_in_dim3A_15 {offsets = [0, 1023], sizes = [1, 2048], strides = [1, 1]} : vector<1x4096xf32> to vector<1x2048xf32>
    %get3A_17 = arith.constant 24 : index
    %get3A_18 = arith.constant 0 : index
    %get3A_19 = vector.load %arg0[%get3A_17, %get3A_18] : memref<32x4096xf32, #tpu.memory_space<vmem>>, vector<8x4096xf32>
    %reduce_sum3A_20 = arith.constant dense<0.000000e+00> : vector<4096xf32>
    %reduce_sum3A_21 = vector.multi_reduction <add>, %get3A_19, %reduce_sum3A_20 [0] : vector<8x4096xf32> to vector<4096xf32>
    %broadcast_in_dim3A_22 = vector.shape_cast %reduce_sum3A_21 : vector<4096xf32> to vector<1x4096xf32>
    %slice3A_23 = vector.extract_strided_slice %broadcast_in_dim3A_22 {offsets = [0, 1023], sizes = [1, 2048], strides = [1, 1]} : vector<1x4096xf32> to vector<1x2048xf32>
    %concatenate3A = tpu.concatenate %slice3A, %slice3A_9, %slice3A_16, %slice3A_23 in 0 : vector<1x2048xf32>, vector<1x2048xf32>, vector<1x2048xf32>, vector<1x2048xf32> -> vector<4x2048xf32>
    %iota3A = tpu.iota {dimensions = array<i32: 1>} : vector<4x2048xi32>
    %sub3A = arith.constant 1024 : i32
    %sub3A_24 = vector.broadcast %sub3A : i32 to vector<4x2048xi32>
    %sub3A_25 = arith.subi %iota3A, %sub3A_24 : vector<4x2048xi32>
    %abs3A = math.absi %sub3A_25 : vector<4x2048xi32>
    %sub3A_26 = arith.constant 2047 : i32
    %sub3A_27 = vector.broadcast %sub3A_26 : i32 to vector<4x2048xi32>
    %sub3A_28 = arith.subi %sub3A_27, %abs3A : vector<4x2048xi32>
    %convert_element_type3A = arith.sitofp %sub3A_28 : vector<4x2048xi32> to vector<4x2048xf32>
    %neg3A = arith.constant 0.000000e+00 : f32
    %neg3A_29 = vector.broadcast %neg3A : f32 to vector<4x2048xf32>
    %neg3A_30 = arith.subf %neg3A_29, %concatenate3A : vector<4x2048xf32>
    %div3A = arith.divf %neg3A_30, %convert_element_type3A : vector<4x2048xf32>
    %swap3A = arith.constant 0 : index
    %swap3A_31 = arith.constant 0 : index
    %swap3A_32 = vector.load %arg1[%swap3A, %swap3A_31] : memref<4x2048xf32, #tpu.memory_space<vmem>>, vector<4x2048xf32>
    tpu.vector_store %arg1[%swap3A, %swap3A_31], %div3A {strides = array<i32>} : memref<4x2048xf32, #tpu.memory_space<vmem>>, vector<4x2048xf32>,
    return
  }
}

</mosaic_0001>

<sc_bundles>
// kernel: kernel.4.cloned.1.call-start
scs
__scs_entry_jumppad:
0x0: {  	(pc) =	sbr.rel $0x88, $3  }
0x1: {  	(tag) =	ssettag $0x0;
	lr =	simm.s32 $0x1  }
0x2: {  	[smem:$0x3FA0] =	sst lr;
	_ =	strace $0xD0000000  }
0x3: {  	_ = 	snop  }
0x4: {  	_ = 	snop  }
0x5: {  	_ = 	snop  }
0x6: {  	_ = 	snop  }
0x7: {  	_ = 	snop  }
__scs_overlays_trampoline_lowered:
0x8: {  	[smem:$0x3FAF] =	sst s0  }
0x9: {  	[smem:$0x3FB0] =	sst s1  }
0xa: {  	[smem:$0x3FB1] =	sst s2  }
0xb: {  	[smem:$0x3FB2] =	sst s3  }
0xc: {  	[smem:$0x3FB3] =	sst s4  }
0xd: {  	[smem:$0x3FB4] =	sst s5  }
0xe: {  	[smem:$0x3FB5] =	sst s6  }
0xf: {  	[smem:$0x3FB6] =	sst s7  }
0x10: {  	[smem:$0x3FB7] =	sst s8  }
0x11: {  	[smem:$0x3FB8] =	sst s9;
	s0 =	simm.s32 @!p0 $0x0  }
0x12: {  	s1 =	sld [smem:$0x3F9E];
	s0 =	simm.s32 @p0 $0x1  }
0x13: {  	[smem:$0x3FB9] =	sst s0;
	s0 =	simm.s32 @!p1 $0x0  }
0x14: {  	s2 =	sld [smem:$0x3F9D];
	s0 =	simm.s32 @p1 $0x1  }
0x15: {  	[smem:$0x3FBA] =	sst s0;
	s0 =	simm.s32 @!p2 $0x0  }
0x16: {  	s3 =	sld [smem:$0x3FDB];
	s0 =	simm.s32 @p2 $0x1  }
0x17: {  	s4 =	simm.s32 $0x1BF5;
	[smem:$0x3FBC] =	sst s0  }
0x18: {  	s0 =	sld [smem:$0x3F9F];
	_ =	swait.ge [sflag:s4], $0x0  }
0x19: {  	s7 =	sld [smem:$0x3FA0]  }
0x1a: {  	s8 =	sadd.s32 $0xFFFFE003, lr  }
0x1b: {  	s9 =	sadd.s32 $0xFFFFFEF7, lr;
	s5 =	simm.s32 $0xFFFFFFFF;
	p2 =	slt.u32 s8, $0xFFFFF086  }
0x1c: {  	p1 =	slt.u32 s9, $0xF7A;
	s5 =	simm.s32 @!p2 $0x0  }
0x1d: {  	s5 =	simm.s32 @p1 $0x1;
	p0 =	seq.s32 s7, s2  }
0x1e: {  	s7 =	smul.u32 @!p0 $0xF7A, s2;
	p2 =	seq.s32 @!p0 s5, $0x0  }
0x1f: {  	s9 =	smul.u32 $0xF7A, s1;
	s8 =	simm.s32 @!p0 $0x1BF5;
	p2 =	por !p2, p0  }
0x20: {  	[sflag:s8] =	ssyncset.s32 @!p0 $0xFFFFF086;
	s6 =	sadd.s32 @!p0 s3, s7;
	s7 =	simm.s32 @!p0 $0x108  }
0x21: {  	s3 =	sadd.s32 s3, s9;
	s6 =	sadd.s32 @!p0 $0x88, s6;
	s7 =	simm.s32 @p2 $0x1082  }
0x22: {  	[simem:s7], [sflag:s8] =	dma.local @!p0 [hbm:s6], $0xF7A  }
0x23: {  	s9 =	sor.u32 $0xD0000000, s2;
	s6 =	simm.s32 $0x108;
	_ =	swait.ge @!p0 [sflag:s8], $0x0  }
0x24: {  	s3 =	sadd.s32 $0x88, s3;
	s6 =	simm.s32 @!p1 $0x1082;
	[sflag:s4] =	ssyncset.s32 $0xFFFFF086  }
0x25: {  	[simem:s6], [sflag:s4] =	dma.local [hbm:s3], $0xF7A  }
0x26: {  	[smem:$0x3FA0] =	sst s1;
	(tag) =	ssettag s2;
	_ =	strace s9  }
0x27: {  	s1 =	sld [smem:$0x3FB0]  }
0x28: {  	s2 =	sld [smem:$0x3FB1]  }
0x29: {  	s4 =	sld [smem:$0x3FB3]  }
0x2a: {  	p0 =	seq.s32 s5, $0x0;
	s5 =	sld [smem:$0x3FB4]  }
0x2b: {  	s6 =	sld [smem:$0x3FB5]  }
0x2c: {  	s7 =	sld [smem:$0x3FB6]  }
0x2d: {  	s3 =	simm.s32 $0x108;
	s8 =	sld [smem:$0x3FB7]  }
0x2e: {  	s3 =	simm.s32 @!p0 $0x1082;
	s9 =	sld [smem:$0x3FB8]  }
0x2f: {  	lr =	sadd.s32 s0, s3;
	s0 =	sld [smem:$0x3FAF]  }
0x30: {  	s3 =	sld [smem:$0x3FB2]  }
0x31: {  	[smem:$0x3FBB] =	sst s10  }
0x32: {  	s10 =	sld [smem:$0x3FB9];
	_ =	sdelay $0x3  }
0x33: {  	p0 =	seq.s32 s10, $0x1;
	s10 =	sld [smem:$0x3FBB];
	_ =	sdelay $0x3  }
0x34: {  	[smem:$0x3FBB] =	sst s10  }
0x35: {  	s10 =	sld [smem:$0x3FBA];
	_ =	sdelay $0x3  }
0x36: {  	p1 =	seq.s32 s10, $0x1;
	s10 =	sld [smem:$0x3FBB];
	_ =	sdelay $0x3  }
0x37: {  	[smem:$0x3FBB] =	sst s10  }
0x38: {  	s10 =	sld [smem:$0x3FBC]  }
0x39: {  	_ = 	snop;
	(pc) =	sbr.ind lr, $3  }
0x3a: {  	_ = 	snop  }
0x3b: {  	_ = 	snop  }
0x3c: {  	p2 =	seq.s32 s10, $0x1;
	s10 =	sld [smem:$0x3FBB]  }
0x3d: {  	_ =	shalt  }
0x3e: {  	_ =	shalt  }
0x3f: {  	_ =	shalt  }
0x40: {  	_ =	shalt  }
0x41: {  	_ =	shalt  }
0x42: {  	_ =	shalt  }
0x43: {  	_ =	shalt  }
0x44: {  	_ =	shalt  }
0x45: {  	_ =	shalt  }
0x46: {  	_ =	shalt  }
0x47: {  	_ =	shalt  }
0x48: {  	_ =	shalt  }
0x49: {  	_ =	shalt  }
0x4a: {  	_ =	shalt  }
0x4b: {  	_ =	shalt  }
0x4c: {  	_ =	shalt  }
0x4d: {  	_ =	shalt  }
0x4e: {  	_ =	shalt  }
0x4f: {  	_ =	shalt  }
0x50: {  	_ =	shalt  }
0x51: {  	_ =	shalt  }
0x52: {  	_ =	shalt  }
0x53: {  	_ =	shalt  }
0x54: {  	_ =	shalt  }
0x55: {  	_ =	shalt  }
0x56: {  	_ =	shalt  }
0x57: {  	_ =	shalt  }
0x58: {  	_ =	shalt  }
0x59: {  	_ =	shalt  }
0x5a: {  	_ =	shalt  }
0x5b: {  	_ =	shalt  }
0x5c: {  	_ =	shalt  }
0x5d: {  	_ =	shalt  }
0x5e: {  	_ =	shalt  }
0x5f: {  	_ =	shalt  }
0x60: {  	_ =	shalt  }
0x61: {  	_ =	shalt  }
0x62: {  	_ =	shalt  }
0x63: {  	_ =	shalt  }
0x64: {  	_ =	shalt  }
0x65: {  	_ =	shalt  }
0x66: {  	_ =	shalt  }
0x67: {  	_ =	shalt  }
0x68: {  	_ =	shalt  }
0x69: {  	_ =	shalt  }
0x6a: {  	_ =	shalt  }
0x6b: {  	_ =	shalt  }
0x6c: {  	_ =	shalt  }
0x6d: {  	_ =	shalt  }
0x6e: {  	_ =	shalt  }
0x6f: {  	_ =	shalt  }
0x70: {  	_ =	shalt  }
0x71: {  	_ =	shalt  }
0x72: {  	_ =	shalt  }
0x73: {  	_ =	shalt  }
0x74: {  	_ =	shalt  }
0x75: {  	_ =	shalt  }
0x76: {  	_ =	shalt  }
0x77: {  	_ =	shalt  }
0x78: {  	_ =	shalt  }
0x79: {  	_ =	shalt  }
0x7a: {  	_ =	shalt  }
0x7b: {  	_ =	shalt  }
0x7c: {  	_ =	shalt  }
0x7d: {  	_ =	shalt  }
0x7e: {  	_ =	shalt  }
0x7f: {  	_ =	shalt  }
0x80: {  	_ =	shalt  }
0x81: {  	_ =	shalt  }
0x82: {  	_ =	shalt  }
0x83: {  	_ =	shalt  }
0x84: {  	_ =	shalt  }
0x85: {  	_ =	shalt  }
0x86: {  	_ =	shalt  }
0x87: {  	_ =	shalt  }
.Lfunc_end0:
.L_simem_size_0:
called_computation_lowered:
.L_overlay_start_0:
0x88: {  	s2 =	sld [smem:$0x3FD9]  }
0x89: {  	s3 =	sld [smem:$0x3FFE];
	_ =	sdelay $0x1  }
0x8a: {  	s1 =	srdreg.scid  }
0x8b: {  	s0 =	sand.u32 $0x1, s1  }
0x8c: {  	s17 =	sshll.u32 s0, $0xA;
	s2 =	sadd.s32 s3, s2  }
0x8d: {  	s2 =	sadd.s32 s2, s17  }
0x8e: {  	[smem:$0x3FC7] =	sst s2  }
0x8f: {  	_ = 	snop  }
0x90: {  	s2 =	sld [smem:$0x3FC9];
	(tm) =	ssettm $0x1  }
0x91: {  	s18 =	sld [smem:$0x3FFB];
	_ =	sdelay $0x3  }
0x92: {  	_ =	strace s18  }
0x93: {  	s3 =	sld [smem:$0x3FFC];
	_ =	sdelay $0x3  }
0x94: {  	_ =	strace s3  }
0x95: {  	s3 =	sld [smem:$0x3FFD];
	_ =	sdelay $0x3  }
0x96: {  	_ =	strace s3  }
0x97: {  	_ =	strace $0x8FFFFFFF  }
0x98: {  	s19 =	sld [smem:$0x3FDB];
	_ =	sdelay $0x1  }
0x99: {  	s4 =	simm.s32 $_scs_section_size  }
0x9a: {  	s5 =	simm.s32 $_size__tile_overlayer_lowered;
	s6 =	simm.s32 $_tile_overlayer_lowered  }
0x9b: {  	s22 =	simm.s32 $0x1BFF;
	s21 =	sshll.u32 s6, $0x1;
	s3 =	sadd.s32 s4, s19  }
0x9c: {  	s7 =	simm.s32 $0x0;
	s20 =	sshll.u32 s5, $0x1;
	s5 =	sadd.s32 s21, s3  }
0x9d: {  	[timem:s7], [sflag:s22] =	dma.local [hbm:s5], s20  }
0x9e: {  	_ =	swait.ge [sflag:s22], s20  }
0x9f: {  	s4 =	ssub.s32 $0x0, s20;
	[sflag:s22] =	ssyncset.done $0x0  }
0xa0: {  	[sflag:s22] =	ssyncadd.s32 s4;
	_ =	sdelay $0x1  }
0xa1: {  	s23 =	simm.s32 $0x1B8B  }
0xa2: {  	_ =	swait.ge [sflag:s23], $0x1  }
0xa3: {  	[sflag:s23] =	ssyncset.done $0x0  }
0xa4: {  	s25 =	simm.s32 $0x1B8E;
	s24 =	sld [smem:$0x3FFE];
	[sflag:s23] =	ssyncadd.s32 $0xFFFFFFFF  }
0xa5: {  	s26 =	simm.s32 $execute0_lowered;
	[smem:$0x3FD2] =	sst s25  }
0xa6: {  	s5 =	sshll.u32 s26, $0x1;
	_ =	strace $0x80000046;
	[dreg:$0x1] =	wrdreg $0xFFFFFFFF  }
0xa7: {  	s28 =	simm.s32 $_size_execute0_lowered;
	s3 =	sadd.s32 s3, s5;
	[dreg:$0x0] =	wrdreg $0x0  }
0xa8: {  	s5 =	sshll.u32 s28, $0x1;
	[dreg:$0x2] =	wrdreg s3  }
0xa9: {  	[dreg:$0x3] =	wrdreg s5  }
0xaa: {  	[dreg:$0x4] =	wrdreg $0xC0  }
0xab: {  	_ =	task [dreg:s7], $0x5FFFF  }
0xac: {  	[dreg:$0x1] =	wrdreg $0xFFFFFFFF  }
0xad: {  	[dreg:$0x0] =	wrdreg $0x60  }
0xae: {  	[dreg:$0x2] =	wrdreg s2  }
0xaf: {  	[dreg:$0x3] =	wrdreg s24  }
0xb0: {  	[dreg:$0x4] =	wrdreg $0x9  }
0xb1: {  	_ =	task.clear_ibuf [dreg:s7], $0x5FFFF;
	_ =	strace $0x90000046  }
0xb2: {  	s29 =	simm.s32 $0x9;
	_ =	strace $0x80000048  }
0xb3: {  	_ =	swait.ge [sflag:s29], $0x1  }
0xb4: {  	[sflag:s29] =	ssyncadd.s32 $0xFFFFFFFF  }
0xb5: {  	_ =	strace $0x90000048  }
0xb6: {  	_ =	sfence  }
0xb7: {  	s30 =	sld [smem:$0x0];
	_ =	sdelay $0x2  }
0xb8: {  	s31 =	sshll.u32 s1, $0xD;
	s1 =	sshrl.u32 s1, $0x2  }
0xb9: {  	s3 =	sand.u32 $0x4000, s31;
	s1 =	sadd.s32 s1, s30  }
0xba: {  	s0 =	sor.u32 s3, s0;
	s1 =	sshll.u32 s1, $0x11  }
0xbb: {  	s0 =	sor.u32 s1, s0  }
0xbc: {  	s0 =	sadd.s32 $0x8F2B, s0  }
0xbd: {  	[sflag:s0] =	ssyncadd.remote.s32 $0x1  }
0xbe: {  	_ =	sfence.sel $0xFFFF  }
0xbf: {  	[dreg:$0x0] =	wrdreg $0xFFFFFFFF;
	(pc) =	sbr.abs _section_cstart, $3  }
0xc0: {  	[dreg:$0x1] =	wrdreg $0xFFFFFFFF  }
0xc1: {  	_ =	task.clear_ibuf [dreg:s7], $0x2FFFF;
	_ =	strace $0x9FFFFFFF  }
0xc2: {  	(tm) =	ssettm $0x7FFFFFFF  }
0xc3: {  	_ =	shalt  }
tec
execute0_lowered:
.L_overlay_start_1:
0x0: {  	(tag) =	ssettag $0x1  }
0x1: {  	s6 =	rddreg [dreg:$0x0]  }
0x2: {  	s0 =	rddreg [dreg:$0x1];
	s7 =	simm.s32 $0x0;
	s5 =	stileid.u32  }
0x3: {  	s2 =	srdreg.scid;
	[smem:$0x7FF] =	sst s7;
	s1 =	sshll.u32 s5, $0xA  }
0x4: {  	s2 =	sand.u32 $0x1, s2;
	s3 =	sshll.u32 s5, $0x1;
	s5 =	sshll.u32 s5, $0x14  }
0x5: {  	_ =	strace $0x80000047;
	s1 =	sand.u32 $0x3000, s1;
	s26 =	ssub.s32 $0x2, s2  }
0x6: {  	s2 =	sor.u32 s2, s3;
	s8 =	sand.u32 $0xC00000, s5;
	s0 =	sadd.s32 s1, s0  }
0x7: {  	s28 =	sshrl.u32 s26, $0x1;
	s4 =	sand.u32 $0x7, s2;
	s2 =	sshll.u32 s2, $0x4  }
0x8: {  	[dreg:$0x4] =	wrdreg s8;
	s29 =	sshll.u32 s4, $0x13;
	s3 =	ssub.s32 s26, s28  }
0x9: {  	s2 =	sand.u32 $0x70, s2;
	s31 =	sshll.u32 s4, $0x5;
	s30 =	sor.u32 s8, s29  }
0xa: {  	[dreg:$0x5] =	wrdreg s31;
	s0 =	sadd.s32 s2, s0;
	s5 =	smax.u32 s3, $0x1  }
0xb: {  	s1 =	sshrl.u32 s30, $0x3;
	s0 =	sadd.s32 $0x600, s0;
	[dreg:$0x8] =	wrdreg s5  }
0xc: {  	s1 =	sadd.s32 s6, s1;
	[dreg:$0x7] =	wrdreg s0  }
0xd: {  	[dreg:$0x6] =	wrdreg s1;
	s1 =	sshll.u32 s4, $0xA  }
0xe: {  	s6 =	ssub.s32 $0x20BC, s1;
	s0 =	sshrl.u32 s1, $0x2;
	s4 =	ssub.s32 $0x20B8, s1  }
0xf: {  	s13 =	ssub.s32 $0x20B4, s1;
	s17 =	ssub.s32 $0x20B0, s1;
	s19 =	ssub.s32 $0x20AC, s1  }
0x10: {  	s23 =	ssub.s32 $0x20A8, s1;
	s28 =	ssub.s32 $0x20A4, s1;
	s30 =	ssub.s32 $0x20A0, s1  }
0x11: {  	s5 =	ssub.s32 $0x209C, s1;
	s2 =	sshrl.u32 s6, $0x2;
	s9 =	sxor.u32 $0xFBF, s0  }
0x12: {  	s11 =	sshrl.u32 s4, $0x2;
	s12 =	sxor.u32 $0xFBE, s0;
	s14 =	sshrl.u32 s13, $0x2  }
0x13: {  	s15 =	sxor.u32 $0xFBD, s0;
	s18 =	sxor.u32 $0xFBC, s0;
	s21 =	sshrl.u32 s19, $0x2  }
0x14: {  	s22 =	sxor.u32 $0xFBB, s0;
	s24 =	sshrl.u32 s23, $0x2;
	s2 =	sor.u32 $0x8000, s2  }
0x15: {  	s25 =	sxor.u32 $0xFBA, s0;
	s10 =	sor.u32 $0x8000, s9;
	[dreg:$0x9] =	wrdreg s2  }
0x16: {  	s29 =	sxor.u32 $0xFB9, s0;
	s16 =	sor.u32 $0x8000, s15;
	[dreg:$0xa] =	wrdreg s10  }
0x17: {  	s3 =	sshrl.u32 s30, $0x2;
	s20 =	sor.u32 $0x8000, s18;
	[dreg:$0xe] =	wrdreg s16  }
0x18: {  	s4 =	sxor.u32 $0xFB8, s0;
	s26 =	sor.u32 $0x8000, s25;
	[dreg:$0x10] =	wrdreg s20  }
0x19: {  	s6 =	sshrl.u32 s5, $0x2;
	s31 =	sor.u32 $0x8000, s29;
	[dreg:$0x14] =	wrdreg s26  }
0x1a: {  	s9 =	sxor.u32 $0xFB7, s0;
	s2 =	sor.u32 $0x8000, s11;
	[dreg:$0x16] =	wrdreg s31  }
0x1b: {  	s19 =	sxor.u32 $0xFB4, s0;
	s10 =	sor.u32 $0x8000, s9;
	[dreg:$0xb] =	wrdreg s2  }
0x1c: {  	s13 =	ssub.s32 $0x2094, s1;
	s20 =	sor.u32 $0x8000, s19;
	[dreg:$0x1a] =	wrdreg s10  }
0x1d: {  	s23 =	ssub.s32 $0x2088, s1;
	s31 =	sor.u32 $0x8000, s8;
	[smem:$0x7F4] =	sst s20  }
0x1e: {  	s30 =	sxor.u32 $0xFB1, s0;
	s2 =	sor.u32 $0x8000, s12;
	[smem:$0x7FD] =	sst s31  }
0x1f: {  	s12 =	sxor.u32 $0xFB6, s0;
	[dreg:$0xc] =	wrdreg s2;
	s2 =	sor.u32 $0x8000, s14  }
0x20: {  	s14 =	sor.u32 $0x8000, s12;
	[dreg:$0xd] =	wrdreg s2;
	s2 =	sshrl.u32 s17, $0x2  }
0x21: {  	s15 =	sshrl.u32 s13, $0x2;
	[dreg:$0x1c] =	wrdreg s14;
	s2 =	sor.u32 $0x8000, s2  }
0x22: {  	s11 =	ssub.s32 $0x2098, s1;
	[dreg:$0xf] =	wrdreg s2;
	s2 =	sor.u32 $0x8000, s21  }
0x23: {  	s16 =	sxor.u32 $0xFB5, s0;
	[dreg:$0x11] =	wrdreg s2;
	s2 =	sor.u32 $0x8000, s22  }
0x24: {  	s22 =	sxor.u32 $0xFB3, s0;
	[dreg:$0x12] =	wrdreg s2;
	s2 =	sor.u32 $0x8000, s24  }
0x25: {  	s24 =	sor.u32 $0x8000, s22;
	[dreg:$0x13] =	wrdreg s2;
	s2 =	sshrl.u32 s28, $0x2  }
0x26: {  	s26 =	sxor.u32 $0xFB2, s0;
	[smem:$0x7F6] =	sst s24;
	s2 =	sor.u32 $0x8000, s2  }
0x27: {  	s17 =	ssub.s32 $0x2090, s1;
	[dreg:$0x15] =	wrdreg s2;
	s2 =	sor.u32 $0x8000, s3  }
0x28: {  	s18 =	sshrl.u32 s17, $0x2;
	[dreg:$0x17] =	wrdreg s2;
	s2 =	sor.u32 $0x8000, s4  }
0x29: {  	s0 =	sxor.u32 $0xFB0, s0;
	[dreg:$0x18] =	wrdreg s2;
	s2 =	sor.u32 $0x8000, s6  }
0x2a: {  	s0 =	sor.u32 $0x8000, s0;
	[dreg:$0x19] =	wrdreg s2;
	s2 =	sshrl.u32 s11, $0x2  }
0x2b: {  	s21 =	ssub.s32 $0x208C, s1;
	[smem:$0x7FC] =	sst s0;
	s2 =	sor.u32 $0x8000, s2  }
0x2c: {  	s28 =	ssub.s32 $0x2084, s1;
	[dreg:$0x1b] =	wrdreg s2;
	s2 =	sor.u32 $0x8000, s15  }
0x2d: {  	s1 =	ssub.s32 $0x2080, s1;
	[dreg:$0x1d] =	wrdreg s2;
	s2 =	sor.u32 $0x8000, s16  }
0x2e: {  	s1 =	sshrl.u32 s1, $0x2;
	[dreg:$0x1e] =	wrdreg s2;
	s2 =	sor.u32 $0x8000, s18  }
0x2f: {  	s1 =	sor.u32 $0x8000, s1;
	[dreg:$0x1f] =	wrdreg s2;
	s2 =	sshrl.u32 s21, $0x2  }
0x30: {  	s25 =	sshrl.u32 s23, $0x2;
	[smem:$0x7FB] =	sst s1;
	s2 =	sor.u32 $0x8000, s2  }
0x31: {  	[smem:$0x7F5] =	sst s2;
	s2 =	sor.u32 $0x8000, s25  }
0x32: {  	s29 =	sshrl.u32 s28, $0x2;
	[smem:$0x7F7] =	sst s2;
	s2 =	sor.u32 $0x8000, s26  }
0x33: {  	[smem:$0x7F8] =	sst s2;
	s2 =	sor.u32 $0x8000, s29  }
0x34: {  	v0 =	vimm.f32 $0.0e+00;
	vm0 =	vcmask $0x3B00;
	[smem:$0x7F9] =	sst s2;
	s2 =	sor.u32 $0x8000, s30  }
0x35: {  	v1 =	vsel vm0, $0x3F800000, v0;
	[smem:$0x7FA] =	sst s2  }
.LBB2_1:
0x36: {  	[dreg:$0x3] =	wrdreg s7;
	s0 =	simm.s32 $0x40;
	s1 =	simm.s32 $0x0  }
.LBB2_2:
0x37: {  	p0 =	sne.s32 s0, $0x3FC0;
	[tilespmem:s1+$0x8000] =	vst v0;
	s1 =	smov.u32 s0;
	s0 =	sadd.s32 $0x40, s0  }
.Ltmp0:
0x38: {  	(pc) =	sbr.rel @p0 .LBB2_2-.Ltmp0, $2  }
0x39: {  	_ =	sdelay $0x2  }
0x3a: {  	s1 =	sshra.s32 s1, $0x2  }
0x3b: {  	s0 =	rddreg [dreg:$0x6]  }
0x3c: {  	s15 =	sld [smem:$0x7FC]  }
0x3d: {  	s12 =	sld [smem:$0x7FB]  }
0x3e: {  	s31 =	sld [smem:$0x7FA]  }
0x3f: {  	s10 =	sld [smem:$0x7F9]  }
0x40: {  	s9 =	sld [smem:$0x7F8]  }
0x41: {  	s11 =	sld [smem:$0x7F6]  }
0x42: {  	s6 =	sld [smem:$0x7F5]  }
0x43: {  	s13 =	sld [smem:$0x7F4]  }
0x44: {  	s14 =	rddreg [dreg:$0x1e]  }
0x45: {  	s30 =	rddreg [dreg:$0x1d]  }
0x46: {  	s16 =	rddreg [dreg:$0x1c]  }
0x47: {  	s28 =	rddreg [dreg:$0x1b]  }
0x48: {  	s17 =	rddreg [dreg:$0x1a]  }
0x49: {  	s25 =	rddreg [dreg:$0x19]  }
0x4a: {  	s18 =	rddreg [dreg:$0x18]  }
0x4b: {  	s23 =	rddreg [dreg:$0x17]  }
0x4c: {  	s19 =	rddreg [dreg:$0x16]  }
0x4d: {  	s21 =	rddreg [dreg:$0x15]  }
0x4e: {  	s20 =	rddreg [dreg:$0x14]  }
0x4f: {  	s22 =	rddreg [dreg:$0x12]  }
0x50: {  	s5 =	rddreg [dreg:$0x11]  }
0x51: {  	s24 =	rddreg [dreg:$0x10]  }
0x52: {  	s4 =	rddreg [dreg:$0xf]  }
0x53: {  	s26 =	rddreg [dreg:$0xe]  }
0x54: {  	[tilespmem:s1+$0x8000] =	vst v0;
	s8 =	simm.s32 $0x0;
	s29 =	rddreg [dreg:$0xc]  }
0x55: {  	[tilespmem:s8], [sflag:$0x1] =	stream.linear.gather [hbm4b:s0+s8], $0x4000, $0x38;
	[tilespmem:$0x9000] =	vst v63  }
0x56: {  	s8 =	sld [smem:$0x7F7]  }
0x57: {  	s0 =	rddreg [dreg:$0x1f]  }
0x58: {  	[smem:$0x7EA] =	sst s14  }
0x59: {  	[smem:$0x7EB] =	sst s16  }
0x5a: {  	[smem:$0x7EC] =	sst s17  }
0x5b: {  	[smem:$0x7ED] =	sst s18  }
0x5c: {  	[smem:$0x7EE] =	sst s19  }
0x5d: {  	[smem:$0x7EF] =	sst s20  }
0x5e: {  	s18 =	rddreg [dreg:$0x13]  }
0x5f: {  	[smem:$0x7F0] =	sst s22  }
0x60: {  	[smem:$0x7F1] =	sst s24  }
0x61: {  	[smem:$0x7F2] =	sst s26  }
0x62: {  	s14 =	rddreg [dreg:$0xd]  }
0x63: {  	[smem:$0x7F3] =	sst s29  }
0x64: {  	s17 =	rddreg [dreg:$0xb]  }
0x65: {  	s19 =	rddreg [dreg:$0xa]  }
0x66: {  	[smem:$0x7E7] =	sst s9  }
0x67: {  	[smem:$0x7E8] =	sst s11  }
0x68: {  	[smem:$0x7E9] =	sst s13  }
0x69: {  	s13 =	rddreg [dreg:$0x9];
	s11 =	simm.s32 $0x0  }
.LBB2_4:
0x6a: {  	s1 =	sshll.u32 s11, $0x1;
	s2 =	rddreg [dreg:$0x5]  }
0x6b: {  	[smem:$0x7E3] =	sst s31;
	s9 =	sadd.s32 s2, s1  }
0x6c: {  	[smem:$0x7E4] =	sst s15;
	s1 =	sor.u32 $0x1, s9  }
0x6d: {  	s3 =	simm.s32 $0x1;
	[smem:$0x7E5] =	sst s1  }
0x6e: {  	_ =	swait.ge [sflag:s3], $0x4000  }
0x6f: {  	s1 =	sshll.u32 s1, $0xE;
	s22 =	rddreg [dreg:$0x4];
	[sflag:s3] =	ssyncset.done $0x0  }
0x70: {  	s1 =	sadd.s32 s22, s1;
	[sflag:s3] =	ssyncadd.s32 $0xFFFFC000  }
0x71: {  	s1 =	sshrl.u32 s1, $0x3;
	s24 =	rddreg [dreg:$0x0]  }
0x72: {  	s26 =	simm.s32 $0x4000;
	s31 =	simm.s32 $0x0;
	s1 =	sadd.s32 s24, s1  }
0x73: {  	[tilespmem:s26], [sflag:$0x2] =	stream.linear.gather [hbm4b:s1+s31], $0x4000, $0x38;
	[tilespmem:$0x9000] =	vst v63  }
0x74: {  	s16 =	simm.s32 $0x30;
	s7 =	simm.s32 $0x20;
	s29 =	smov.u32 s13;
	v2 =	vld [tilespmem:s13+$0xFFFFFFD0]  }
0x75: {  	s20 =	sand.u32 $0x3C00, s31;
	s22 =	simm.s32 $0x10;
	s1 =	sand.u32 $0x70, s16;
	v3 =	vld [tilespmem:s13+$0x0]  }
0x76: {  	s2 =	simm.s32 $0x40;
	s3 =	sand.u32 $0x50, s22;
	s1 =	sor.u32 s1, s20;
	v5 =	vld [tilespmem:s13+$0xFFFFFFE0]  }
0x77: {  	s24 =	sand.u32 $0x60, s7;
	s3 =	sor.u32 s3, s20;
	v6 =	vld [tilespmem:s1+$0x0];
	[smem:$0x7E6] =	sst s9  }
0x78: {  	s22 =	simm.s32 $0x0;
	s26 =	sand.u32 $0x40, s31;
	s1 =	sor.u32 s24, s20;
	v7 =	vld [tilespmem:s3+$0x0]  }
0x79: {  	s7 =	simm.s32 $0x3E00;
	s31 =	sor.u32 s26, s20;
	s26 =	simm.s32 $0x200;
	v4 =	vld [tilespmem:s1+$0x0]  }
0x7a: {  	s9 =	sshll.u32 s9, $0x3;
	s24 =	simm.s32 $0x40;
	s20 =	smov.u32 s13;
	v8 =	vld [tilespmem:s31+$0x0]  }
.LBB2_5:
0x7b: {  	s1 =	sadd.s32 $0x30, s24  }
0x7c: {  	s22 =	sadd.s32 $0x4, s22;
	v9 =	vld [tilespmem:s20+$0xFFFFFFF0];
	v6 =	vadd.f32 v3, v6;
	s29 =	sadd.s32 $0x40, s29;
	s3 =	sand.u32 $0x3C00, s26  }
0x7d: {  	s16 =	sadd.s32 $0x10, s24;
	v10 =	vld [tilespmem:s29+$0xFFFFFFD0];
	s1 =	sand.u32 $0x70, s1;
	p0 =	slt.u32 s22, $0x78  }
0x7e: {  	s31 =	sadd.s32 $0x20, s24;
	s15 =	sand.u32 $0x40, s24;
	s1 =	sor.u32 s1, s3;
	v3 =	vld [tilespmem:s29+$0x0];
	v7 =	vadd.f32 v5, v7;
	[tilespmem:s20+$0x0] =	vst v6  }
.Ltmp1:
0x7f: {  	s16 =	sand.u32 $0x50, s16;
	s31 =	sand.u32 $0x60, s31;
	v6 =	vld [tilespmem:s1+$0x0];
	(pc) =	sbr.rel @p0 .LBB2_5-.Ltmp1, $4  }
0x80: {  	s1 =	sor.u32 s15, s3;
	s15 =	sor.u32 s16, s3;
	s3 =	sor.u32 s31, s3;
	v5 =	vld [tilespmem:s29+$0xFFFFFFE0];
	v8 =	vadd.f32 v2, v8;
	[tilespmem:s20+$0xFFFFFFE0] =	vst v7  }
0x81: {  	v7 =	vld [tilespmem:s15+$0x0];
	v9 =	vadd.f32 v9, v4;
	s15 =	smov.u32 s20;
	s20 =	smov.u32 s29  }
0x82: {  	v4 =	vld [tilespmem:s3+$0x0];
	[tilespmem:s15+$0xFFFFFFD0] =	vst v8;
	v2 =	vmov v10  }
0x83: {  	s24 =	sadd.s32 $0x40, s24;
	s26 =	sadd.s32 $0x200, s26;
	v8 =	vld [tilespmem:s1+$0x0];
	[tilespmem:s15+$0xFFFFFFF0] =	vst v9  }
0x84: {  	v9 =	vld [tilespmem:s20+$0xFFFFFFF0];
	_ =	sdelay $0x1  }
0x85: {  	v3 =	vadd.f32 v3, v6  }
0x86: {  	v5 =	vadd.f32 v5, v7  }
0x87: {  	[tilespmem:s20+$0x0] =	vst v3;
	v2 =	vadd.f32 v2, v8  }
0x88: {  	[tilespmem:s20+$0xFFFFFFE0] =	vst v5;
	v3 =	vadd.f32 v9, v4  }
0x89: {  	[tilespmem:s20+$0xFFFFFFD0] =	vst v2  }
0x8a: {  	s1 =	smov.u32 s19;
	[tilespmem:s20+$0xFFFFFFF0] =	vst v3  }
.LBB2_7:
0x8b: {  	s3 =	sand.u32 $0x3FFFFC00, s7  }
0x8c: {  	v3 =	vld [tilespmem:s1+$0x0];
	s3 =	sadd.s32 s3, s2  }
0x8d: {  	v2 =	vld [tilespmem:s3+$0x0];
	_ =	sdelay $0x1  }
0x8e: {  	p0 =	sne.s32 s7, $0x3F00  }
.Ltmp2:
0x8f: {  	_ = 	snop;
	(pc) =	sbr.rel @p0 .LBB2_7-.Ltmp2, $3  }
0x90: {  	_ = 	snop  }
0x91: {  	v2 =	vadd.f32 v3, v2;
	_ =	sdelay $0x1  }
0x92: {  	s7 =	sadd.s32 $0x80, s7;
	s2 =	sadd.s32 $0x10, s2;
	[tilespmem:s1+$0x0] =	vst v2;
	s1 =	sadd.s32 $0x10, s1  }
0x93: {  	v2 =	vld [tilespmem:$0x3C70]  }
0x94: {  	s1 =	ssub.s32 $0x8FEF, s9  }
0x95: {  	v3 =	vld [tilespmem:s1+$0x0];
	_ =	sdelay $0x2  }
0x96: {  	v2 =	vmul.f32 v1, v2;
	_ =	sdelay $0x1  }
0x97: {  	v2 =	vadd.f32 v2, v3;
	_ =	sdelay $0x1  }
0x98: {  	s29 =	simm.s32 $0x0;
	s2 =	simm.s32 $0x30;
	[tilespmem:s1+$0x0] =	vst v2  }
0x99: {  	s3 =	sand.u32 $0x3C00, s29;
	s2 =	sand.u32 $0x70, s2;
	v2 =	vld [tilespmem:s17+$0xFFFFFFD0]  }
0x9a: {  	s7 =	simm.s32 $0x10;
	s2 =	sor.u32 s2, s3;
	v3 =	vld [tilespmem:s17+$0x0]  }
0x9b: {  	s15 =	simm.s32 $0x20;
	s7 =	sand.u32 $0x50, s7;
	v6 =	vld [tilespmem:s2+$0x80]  }
0x9c: {  	s31 =	sand.u32 $0x60, s15;
	s7 =	sor.u32 s7, s3;
	v5 =	vld [tilespmem:s17+$0xFFFFFFE0]  }
0x9d: {  	s20 =	simm.s32 $0x0;
	s1 =	sand.u32 $0x40, s29;
	s2 =	sor.u32 s31, s3;
	v7 =	vld [tilespmem:s7+$0x80]  }
0x9e: {  	s22 =	simm.s32 $0x40;
	s24 =	simm.s32 $0x200;
	s1 =	sor.u32 s1, s3;
	v4 =	vld [tilespmem:s2+$0x80]  }
0x9f: {  	s26 =	smov.u32 s17;
	s7 =	smov.u32 s17;
	s2 =	simm.s32 $0xC0;
	v8 =	vld [tilespmem:s1+$0x80]  }
.LBB2_9:
0xa0: {  	s1 =	sadd.s32 $0x30, s22  }
0xa1: {  	s20 =	sadd.s32 $0x4, s20;
	v9 =	vld [tilespmem:s7+$0xFFFFFFF0];
	v6 =	vadd.f32 v3, v6;
	s26 =	sadd.s32 $0x40, s26;
	s3 =	sand.u32 $0x3C00, s24  }
0xa2: {  	s15 =	sadd.s32 $0x10, s22;
	v10 =	vld [tilespmem:s26+$0xFFFFFFD0];
	s1 =	sand.u32 $0x70, s1;
	p0 =	slt.u32 s20, $0x78  }
0xa3: {  	s16 =	sadd.s32 $0x20, s22;
	s29 =	sand.u32 $0x40, s22;
	s1 =	sor.u32 s1, s3;
	v3 =	vld [tilespmem:s26+$0x0];
	v7 =	vadd.f32 v5, v7;
	[tilespmem:s7+$0x0] =	vst v6  }
.Ltmp3:
0xa4: {  	s15 =	sand.u32 $0x50, s15;
	s16 =	sand.u32 $0x60, s16;
	v6 =	vld [tilespmem:s1+$0x80];
	(pc) =	sbr.rel @p0 .LBB2_9-.Ltmp3, $4  }
0xa5: {  	s15 =	sor.u32 s15, s3;
	s1 =	sor.u32 s29, s3;
	s3 =	sor.u32 s16, s3;
	v5 =	vld [tilespmem:s26+$0xFFFFFFE0];
	v8 =	vadd.f32 v2, v8;
	[tilespmem:s7+$0xFFFFFFE0] =	vst v7  }
0xa6: {  	v7 =	vld [tilespmem:s15+$0x80];
	v9 =	vadd.f32 v9, v4;
	s15 =	smov.u32 s7;
	s7 =	smov.u32 s26  }
0xa7: {  	v4 =	vld [tilespmem:s3+$0x80];
	[tilespmem:s15+$0xFFFFFFD0] =	vst v8;
	v2 =	vmov v10  }
0xa8: {  	s22 =	sadd.s32 $0x40, s22;
	s24 =	sadd.s32 $0x200, s24;
	v8 =	vld [tilespmem:s1+$0x80];
	s1 =	simm.s32 $0x3E00;
	[tilespmem:s15+$0xFFFFFFF0] =	vst v9  }
0xa9: {  	v9 =	vld [tilespmem:s7+$0xFFFFFFF0];
	_ =	sdelay $0x1  }
0xaa: {  	v3 =	vadd.f32 v3, v6  }
0xab: {  	v5 =	vadd.f32 v5, v7  }
0xac: {  	[tilespmem:s7+$0x0] =	vst v3;
	v2 =	vadd.f32 v2, v8  }
0xad: {  	[tilespmem:s7+$0xFFFFFFE0] =	vst v5;
	v3 =	vadd.f32 v9, v4  }
0xae: {  	[tilespmem:s7+$0xFFFFFFD0] =	vst v2  }
0xaf: {  	[tilespmem:s7+$0xFFFFFFF0] =	vst v3  }
0xb0: {  	s3 =	sld [smem:$0x7F3]  }
.LBB2_11:
0xb1: {  	s7 =	sand.u32 $0x3FFFFC00, s1  }
0xb2: {  	v3 =	vld [tilespmem:s3+$0x0];
	s7 =	sadd.s32 s7, s2  }
0xb3: {  	v2 =	vld [tilespmem:s7+$0x0];
	_ =	sdelay $0x1  }
0xb4: {  	p0 =	sne.s32 s1, $0x3F00  }
.Ltmp4:
0xb5: {  	_ = 	snop;
	(pc) =	sbr.rel @p0 .LBB2_11-.Ltmp4, $3  }
0xb6: {  	_ = 	snop  }
0xb7: {  	v2 =	vadd.f32 v3, v2;
	_ =	sdelay $0x1  }
0xb8: {  	s1 =	sadd.s32 $0x80, s1;
	s2 =	sadd.s32 $0x10, s2;
	[tilespmem:s3+$0x0] =	vst v2;
	s3 =	sadd.s32 $0x10, s3  }
0xb9: {  	v2 =	vld [tilespmem:$0x3CF0]  }
0xba: {  	s1 =	ssub.s32 $0x8FEE, s9  }
0xbb: {  	v3 =	vld [tilespmem:s1+$0x0];
	_ =	sdelay $0x2  }
0xbc: {  	v2 =	vmul.f32 v1, v2;
	_ =	sdelay $0x1  }
0xbd: {  	v2 =	vadd.f32 v2, v3;
	_ =	sdelay $0x1  }
0xbe: {  	s29 =	simm.s32 $0x0;
	s2 =	simm.s32 $0x30;
	[tilespmem:s1+$0x0] =	vst v2  }
0xbf: {  	s3 =	sand.u32 $0x3C00, s29;
	s2 =	sand.u32 $0x70, s2;
	v2 =	vld [tilespmem:s14+$0xFFFFFFD0]  }
0xc0: {  	s7 =	simm.s32 $0x10;
	s2 =	sor.u32 s2, s3;
	v3 =	vld [tilespmem:s14+$0x0]  }
0xc1: {  	s15 =	simm.s32 $0x20;
	s7 =	sand.u32 $0x50, s7;
	v6 =	vld [tilespmem:s2+$0x100]  }
0xc2: {  	s31 =	sand.u32 $0x60, s15;
	s7 =	sor.u32 s7, s3;
	v5 =	vld [tilespmem:s14+$0xFFFFFFE0]  }
0xc3: {  	s20 =	simm.s32 $0x0;
	s1 =	sand.u32 $0x40, s29;
	s2 =	sor.u32 s31, s3;
	v7 =	vld [tilespmem:s7+$0x100]  }
0xc4: {  	s22 =	simm.s32 $0x40;
	s24 =	simm.s32 $0x200;
	s1 =	sor.u32 s1, s3;
	v4 =	vld [tilespmem:s2+$0x100]  }
0xc5: {  	s26 =	smov.u32 s14;
	s7 =	smov.u32 s14;
	s2 =	simm.s32 $0x140;
	v8 =	vld [tilespmem:s1+$0x100]  }
.LBB2_13:
0xc6: {  	s1 =	sadd.s32 $0x30, s22  }
0xc7: {  	s20 =	sadd.s32 $0x4, s20;
	v9 =	vld [tilespmem:s7+$0xFFFFFFF0];
	v6 =	vadd.f32 v3, v6;
	s26 =	sadd.s32 $0x40, s26;
	s3 =	sand.u32 $0x3C00, s24  }
0xc8: {  	s15 =	sadd.s32 $0x10, s22;
	v10 =	vld [tilespmem:s26+$0xFFFFFFD0];
	s1 =	sand.u32 $0x70, s1;
	p0 =	slt.u32 s20, $0x78  }
0xc9: {  	s16 =	sadd.s32 $0x20, s22;
	s29 =	sand.u32 $0x40, s22;
	s1 =	sor.u32 s1, s3;
	v3 =	vld [tilespmem:s26+$0x0];
	v7 =	vadd.f32 v5, v7;
	[tilespmem:s7+$0x0] =	vst v6  }
.Ltmp5:
0xca: {  	s15 =	sand.u32 $0x50, s15;
	s16 =	sand.u32 $0x60, s16;
	v6 =	vld [tilespmem:s1+$0x100];
	(pc) =	sbr.rel @p0 .LBB2_13-.Ltmp5, $4  }
0xcb: {  	s15 =	sor.u32 s15, s3;
	s1 =	sor.u32 s29, s3;
	s3 =	sor.u32 s16, s3;
	v5 =	vld [tilespmem:s26+$0xFFFFFFE0];
	v8 =	vadd.f32 v2, v8;
	[tilespmem:s7+$0xFFFFFFE0] =	vst v7  }
0xcc: {  	v7 =	vld [tilespmem:s15+$0x100];
	v9 =	vadd.f32 v9, v4;
	s15 =	smov.u32 s7;
	s7 =	smov.u32 s26  }
0xcd: {  	v4 =	vld [tilespmem:s3+$0x100];
	[tilespmem:s15+$0xFFFFFFD0] =	vst v8;
	v2 =	vmov v10  }
0xce: {  	s22 =	sadd.s32 $0x40, s22;
	s24 =	sadd.s32 $0x200, s24;
	v8 =	vld [tilespmem:s1+$0x100];
	s1 =	simm.s32 $0x3E00;
	[tilespmem:s15+$0xFFFFFFF0] =	vst v9  }
0xcf: {  	v9 =	vld [tilespmem:s7+$0xFFFFFFF0];
	_ =	sdelay $0x1  }
0xd0: {  	v3 =	vadd.f32 v3, v6  }
0xd1: {  	v5 =	vadd.f32 v5, v7  }
0xd2: {  	[tilespmem:s7+$0x0] =	vst v3;
	v2 =	vadd.f32 v2, v8  }
0xd3: {  	[tilespmem:s7+$0xFFFFFFE0] =	vst v5;
	v3 =	vadd.f32 v9, v4  }
0xd4: {  	[tilespmem:s7+$0xFFFFFFD0] =	vst v2  }
0xd5: {  	[tilespmem:s7+$0xFFFFFFF0] =	vst v3  }
0xd6: {  	s3 =	sld [smem:$0x7F2]  }
.LBB2_15:
0xd7: {  	s7 =	sand.u32 $0x3FFFFC00, s1  }
0xd8: {  	v3 =	vld [tilespmem:s3+$0x0];
	s7 =	sadd.s32 s7, s2  }
0xd9: {  	v2 =	vld [tilespmem:s7+$0x0];
	_ =	sdelay $0x1  }
0xda: {  	p0 =	sne.s32 s1, $0x3F00  }
.Ltmp6:
0xdb: {  	_ = 	snop;
	(pc) =	sbr.rel @p0 .LBB2_15-.Ltmp6, $3  }
0xdc: {  	_ = 	snop  }
0xdd: {  	v2 =	vadd.f32 v3, v2;
	_ =	sdelay $0x1  }
0xde: {  	s1 =	sadd.s32 $0x80, s1;
	s2 =	sadd.s32 $0x10, s2;
	[tilespmem:s3+$0x0] =	vst v2;
	s3 =	sadd.s32 $0x10, s3  }
0xdf: {  	v2 =	vld [tilespmem:$0x3D70]  }
0xe0: {  	s1 =	ssub.s32 $0x8FED, s9  }
0xe1: {  	v3 =	vld [tilespmem:s1+$0x0];
	_ =	sdelay $0x2  }
0xe2: {  	v2 =	vmul.f32 v1, v2;
	_ =	sdelay $0x1  }
0xe3: {  	v2 =	vadd.f32 v2, v3;
	_ =	sdelay $0x1  }
0xe4: {  	s29 =	simm.s32 $0x0;
	s2 =	simm.s32 $0x30;
	[tilespmem:s1+$0x0] =	vst v2  }
0xe5: {  	s3 =	sand.u32 $0x3C00, s29;
	s2 =	sand.u32 $0x70, s2;
	v2 =	vld [tilespmem:s4+$0xFFFFFFD0]  }
0xe6: {  	s7 =	simm.s32 $0x10;
	s2 =	sor.u32 s2, s3;
	v3 =	vld [tilespmem:s4+$0x0]  }
0xe7: {  	s15 =	simm.s32 $0x20;
	s7 =	sand.u32 $0x50, s7;
	v6 =	vld [tilespmem:s2+$0x180]  }
0xe8: {  	s31 =	sand.u32 $0x60, s15;
	s7 =	sor.u32 s7, s3;
	v5 =	vld [tilespmem:s4+$0xFFFFFFE0]  }
0xe9: {  	s20 =	simm.s32 $0x0;
	s1 =	sand.u32 $0x40, s29;
	s2 =	sor.u32 s31, s3;
	v7 =	vld [tilespmem:s7+$0x180]  }
0xea: {  	s22 =	simm.s32 $0x40;
	s24 =	simm.s32 $0x200;
	s1 =	sor.u32 s1, s3;
	v4 =	vld [tilespmem:s2+$0x180]  }
0xeb: {  	s26 =	smov.u32 s4;
	s7 =	smov.u32 s4;
	s2 =	simm.s32 $0x1C0;
	v8 =	vld [tilespmem:s1+$0x180]  }
.LBB2_17:
0xec: {  	s1 =	sadd.s32 $0x30, s22  }
0xed: {  	s20 =	sadd.s32 $0x4, s20;
	v9 =	vld [tilespmem:s7+$0xFFFFFFF0];
	v6 =	vadd.f32 v3, v6;
	s26 =	sadd.s32 $0x40, s26;
	s3 =	sand.u32 $0x3C00, s24  }
0xee: {  	s15 =	sadd.s32 $0x10, s22;
	v10 =	vld [tilespmem:s26+$0xFFFFFFD0];
	s1 =	sand.u32 $0x70, s1;
	p0 =	slt.u32 s20, $0x78  }
0xef: {  	s16 =	sadd.s32 $0x20, s22;
	s29 =	sand.u32 $0x40, s22;
	s1 =	sor.u32 s1, s3;
	v3 =	vld [tilespmem:s26+$0x0];
	v7 =	vadd.f32 v5, v7;
	[tilespmem:s7+$0x0] =	vst v6  }
.Ltmp7:
0xf0: {  	s15 =	sand.u32 $0x50, s15;
	s16 =	sand.u32 $0x60, s16;
	v6 =	vld [tilespmem:s1+$0x180];
	(pc) =	sbr.rel @p0 .LBB2_17-.Ltmp7, $4  }
0xf1: {  	s15 =	sor.u32 s15, s3;
	s1 =	sor.u32 s29, s3;
	s3 =	sor.u32 s16, s3;
	v5 =	vld [tilespmem:s26+$0xFFFFFFE0];
	v8 =	vadd.f32 v2, v8;
	[tilespmem:s7+$0xFFFFFFE0] =	vst v7  }
0xf2: {  	v7 =	vld [tilespmem:s15+$0x180];
	v9 =	vadd.f32 v9, v4;
	s15 =	smov.u32 s7;
	s7 =	smov.u32 s26  }
0xf3: {  	v4 =	vld [tilespmem:s3+$0x180];
	[tilespmem:s15+$0xFFFFFFD0] =	vst v8;
	v2 =	vmov v10  }
0xf4: {  	s22 =	sadd.s32 $0x40, s22;
	s24 =	sadd.s32 $0x200, s24;
	v8 =	vld [tilespmem:s1+$0x180];
	s1 =	simm.s32 $0x3E00;
	[tilespmem:s15+$0xFFFFFFF0] =	vst v9  }
0xf5: {  	v9 =	vld [tilespmem:s7+$0xFFFFFFF0];
	_ =	sdelay $0x1  }
0xf6: {  	v3 =	vadd.f32 v3, v6  }
0xf7: {  	v5 =	vadd.f32 v5, v7  }
0xf8: {  	[tilespmem:s7+$0x0] =	vst v3;
	v2 =	vadd.f32 v2, v8  }
0xf9: {  	[tilespmem:s7+$0xFFFFFFE0] =	vst v5;
	v3 =	vadd.f32 v9, v4  }
0xfa: {  	[tilespmem:s7+$0xFFFFFFD0] =	vst v2  }
0xfb: {  	[tilespmem:s7+$0xFFFFFFF0] =	vst v3  }
0xfc: {  	s3 =	sld [smem:$0x7F1]  }
.LBB2_19:
0xfd: {  	s7 =	sand.u32 $0x3FFFFC00, s1  }
0xfe: {  	v3 =	vld [tilespmem:s3+$0x0];
	s7 =	sadd.s32 s7, s2  }
0xff: {  	v2 =	vld [tilespmem:s7+$0x0];
	_ =	sdelay $0x1  }
0x100: {  	p0 =	sne.s32 s1, $0x3F00  }
.Ltmp8:
0x101: {  	_ = 	snop;
	(pc) =	sbr.rel @p0 .LBB2_19-.Ltmp8, $3  }
0x102: {  	_ = 	snop  }
0x103: {  	v2 =	vadd.f32 v3, v2;
	_ =	sdelay $0x1  }
0x104: {  	s1 =	sadd.s32 $0x80, s1;
	s2 =	sadd.s32 $0x10, s2;
	[tilespmem:s3+$0x0] =	vst v2;
	s3 =	sadd.s32 $0x10, s3  }
0x105: {  	v2 =	vld [tilespmem:$0x3DF0]  }
0x106: {  	s1 =	ssub.s32 $0x8FEC, s9  }
0x107: {  	v3 =	vld [tilespmem:s1+$0x0];
	_ =	sdelay $0x2  }
0x108: {  	s2 =	simm.s32 $0x0;
	v2 =	vmul.f32 v1, v2  }
0x109: {  	s3 =	sand.u32 $0x3, s2  }
0x10a: {  	s2 =	sand.u32 $0x7, s2;
	s3 =	sshll.u32 s3, $0x5;
	v2 =	vadd.f32 v2, v3  }
0x10b: {  	s2 =	sshll.u32 s2, $0x4;
	s3 =	sadd.s32 $0x20, s3  }
0x10c: {  	p0 =	por $0x0, $0x0;
	s2 =	sadd.s32 $0x0, s2;
	s3 =	sor.u32 $0x200, s3;
	[tilespmem:s1+$0x0] =	vst v2  }
0x10d: {  	s16 =	sadd.s32 $0x30, s2;
	s2 =	sadd.s32 $0x10, s2;
	s1 =	simm.s32 $0x1;
	v7 =	vld [tilespmem:s3+$0x0]  }
0x10e: {  	s2 =	sor.u32 $0x200, s2;
	s1 =	simm.s32 @!p0 $0x0;
	v2 =	vld [tilespmem:s5+$0x0]  }
0x10f: {  	s3 =	sor.u32 $0x200, s16;
	v6 =	vld [tilespmem:s2+$0x0];
	s1 =	sshll.u32 s1, $0x6  }
0x110: {  	s7 =	simm.s32 $0x240;
	s20 =	simm.s32 $0x2;
	v3 =	vld [tilespmem:s3+$0x0];
	s1 =	sadd.s32 $0x0, s1  }
0x111: {  	s31 =	simm.s32 $0x220;
	v5 =	vld [tilespmem:s5+$0xFFFFFFD0];
	s2 =	simm.s32 $0x4;
	s1 =	sor.u32 $0x200, s1  }
0x112: {  	s29 =	sadd.s32 $0x40, s5;
	s22 =	sand.u32 $0x3, s20;
	s15 =	sand.u32 $0x7, s2;
	v4 =	vld [tilespmem:s1+$0x0]  }
0x113: {  	p0 =	por !p0, !p0;
	v8 =	vld [tilespmem:s5+$0xFFFFFFE0];
	s15 =	sshll.u32 s15, $0x4;
	s1 =	sshll.u32 s22, $0x5  }
0x114: {  	v9 =	vld [tilespmem:s5+$0xFFFFFFF0];
	s3 =	simm.s32 $0x1;
	s15 =	sadd.s32 $0x200, s15;
	s1 =	sadd.s32 $0x220, s1  }
0x115: {  	s24 =	sadd.s32 $0x30, s15;
	s15 =	sadd.s32 $0x10, s15;
	s1 =	sor.u32 $0x200, s1;
	v3 =	vadd.f32 v2, v3  }
0x116: {  	s26 =	simm.s32 $0x4;
	s3 =	simm.s32 @!p0 $0x0;
	s15 =	sor.u32 $0x200, s15;
	v2 =	vld [tilespmem:s1+$0x0]  }
0x117: {  	s20 =	simm.s32 $0x4;
	s16 =	smov.u32 s5;
	s3 =	sshll.u32 s3, $0x6;
	[tilespmem:s5+$0x0] =	vst v3;
	v3 =	vld [tilespmem:s15+$0x0];
	v10 =	vadd.f32 v5, v4  }
0x118: {  	p0 =	por !p0, !p0;
	s3 =	sadd.s32 $0x200, s3;
	s1 =	sor.u32 $0x200, s24;
	v4 =	vld [tilespmem:s29+$0x0]  }
0x119: {  	s22 =	simm.s32 $0x200;
	v6 =	vadd.f32 v8, v6;
	v7 =	vadd.f32 v9, v7;
	s24 =	smov.u32 s29;
	v5 =	vld [tilespmem:s1+$0x0];
	s1 =	sor.u32 $0x200, s3;
	[tilespmem:s5+$0xFFFFFFD0] =	vst v10  }
.LBB2_21:
0x11a: {  	s3 =	simm.s32 $0x1;
	s15 =	sand.u32 $0x3, s20  }
0x11b: {  	v8 =	vld [tilespmem:s1+$0x0];
	s31 =	sadd.s32 $0x200, s31;
	[tilespmem:s16+$0xFFFFFFE0] =	vst v6;
	s2 =	sadd.s32 $0x4, s2;
	s3 =	simm.s32 @!p0 $0x0  }
0x11c: {  	s26 =	sadd.s32 $0x4, s26;
	s1 =	sshll.u32 s3, $0x6;
	s3 =	sshll.u32 s15, $0x5;
	v6 =	vld [tilespmem:s29+$0xFFFFFFD0];
	[tilespmem:s16+$0xFFFFFFF0] =	vst v7;
	v7 =	vmov v2  }
0x11d: {  	s22 =	sadd.s32 $0x200, s22;
	s15 =	sand.u32 $0x7, s2;
	s3 =	sadd.s32 s3, s31;
	v9 =	vld [tilespmem:s29+$0xFFFFFFE0]  }
0x11e: {  	p1 =	slt.u32 s26, $0x78;
	s15 =	sshll.u32 s15, $0x4;
	v4 =	vadd.f32 v4, v5;
	s1 =	sadd.s32 s1, s22;
	v10 =	vld [tilespmem:s29+$0xFFFFFFF0]  }
.Ltmp9:
0x11f: {  	s15 =	sadd.s32 s15, s22;
	s3 =	sor.u32 $0x200, s3;
	(pc) =	sbr.rel @p1 .LBB2_21-.Ltmp9, $4  }
0x120: {  	s29 =	sadd.s32 $0x40, s29;
	s16 =	sadd.s32 $0x10, s15;
	v2 =	vld [tilespmem:s3+$0x0];
	s3 =	sadd.s32 $0x30, s15;
	[tilespmem:s24+$0x0] =	vst v4  }
0x121: {  	s1 =	sor.u32 $0x200, s1;
	s15 =	sor.u32 $0x200, s16;
	s3 =	sor.u32 $0x200, s3;
	v4 =	vld [tilespmem:s29+$0x0];
	v8 =	vadd.f32 v6, v8  }
0x122: {  	s16 =	smov.u32 s24;
	s24 =	smov.u32 s29;
	v5 =	vld [tilespmem:s3+$0x0];
	v6 =	vadd.f32 v9, v3  }
0x123: {  	s20 =	sadd.s32 $0x2, s20;
	p0 =	por !p0, !p0;
	s3 =	simm.s32 $0x3E00;
	v3 =	vld [tilespmem:s15+$0x0];
	[tilespmem:s16+$0xFFFFFFD0] =	vst v8;
	v7 =	vadd.f32 v10, v7  }
0x124: {  	v8 =	vld [tilespmem:s1+$0x0]  }
0x125: {  	v9 =	vld [tilespmem:s29+$0xFFFFFFD0]  }
0x126: {  	v10 =	vld [tilespmem:s29+$0xFFFFFFE0]  }
0x127: {  	v11 =	vld [tilespmem:s29+$0xFFFFFFF0];
	_ =	sdelay $0x1  }
0x128: {  	[tilespmem:s16+$0xFFFFFFE0] =	vst v6;
	v4 =	vadd.f32 v4, v5  }
0x129: {  	[tilespmem:s16+$0xFFFFFFF0] =	vst v7;
	v63 =	vadd.f32 v9, v8  }
0x12a: {  	[tilespmem:s24+$0x0] =	vst v4;
	v3 =	vadd.f32 v10, v3  }
0x12b: {  	v2 =	vadd.f32 v11, v2;
	[tilespmem:s24+$0xFFFFFFD0] =	vst v63  }
0x12c: {  	[tilespmem:s24+$0xFFFFFFE0] =	vst v3  }
0x12d: {  	[tilespmem:s24+$0xFFFFFFF0] =	vst v2  }
0x12e: {  	s1 =	sld [smem:$0x7F0]  }
.LBB2_23:
0x12f: {  	s2 =	sand.u32 $0x3FFFFC00, s3  }
0x130: {  	v3 =	vld [tilespmem:s1+$0x0];
	s2 =	sadd.s32 s2, s7  }
0x131: {  	v2 =	vld [tilespmem:s2+$0x0];
	_ =	sdelay $0x1  }
0x132: {  	p0 =	sne.s32 s3, $0x3F00  }
.Ltmp10:
0x133: {  	_ = 	snop;
	(pc) =	sbr.rel @p0 .LBB2_23-.Ltmp10, $3  }
0x134: {  	_ = 	snop  }
0x135: {  	v2 =	vadd.f32 v3, v2;
	_ =	sdelay $0x1  }
0x136: {  	s3 =	sadd.s32 $0x80, s3;
	s7 =	sadd.s32 $0x10, s7;
	[tilespmem:s1+$0x0] =	vst v2;
	s1 =	sadd.s32 $0x10, s1  }
0x137: {  	v2 =	vld [tilespmem:$0x3E70]  }
0x138: {  	s1 =	ssub.s32 $0x8FEB, s9  }
0x139: {  	v3 =	vld [tilespmem:s1+$0x0];
	_ =	sdelay $0x2  }
0x13a: {  	s2 =	simm.s32 $0x0;
	v2 =	vmul.f32 v1, v2  }
0x13b: {  	s3 =	sand.u32 $0x3, s2  }
0x13c: {  	s2 =	sand.u32 $0x7, s2;
	s3 =	sshll.u32 s3, $0x5;
	v2 =	vadd.f32 v2, v3  }
0x13d: {  	s2 =	sshll.u32 s2, $0x4;
	s3 =	sadd.s32 $0x20, s3  }
0x13e: {  	p0 =	por $0x0, $0x0;
	s2 =	sadd.s32 $0x0, s2;
	s3 =	sor.u32 $0x280, s3;
	[tilespmem:s1+$0x0] =	vst v2  }
0x13f: {  	s16 =	sadd.s32 $0x30, s2;
	s2 =	sadd.s32 $0x10, s2;
	s1 =	simm.s32 $0x1;
	v7 =	vld [tilespmem:s3+$0x0]  }
0x140: {  	s2 =	sor.u32 $0x280, s2;
	s1 =	simm.s32 @!p0 $0x0;
	v2 =	vld [tilespmem:s18+$0x0]  }
0x141: {  	s3 =	sor.u32 $0x280, s16;
	v6 =	vld [tilespmem:s2+$0x0];
	s1 =	sshll.u32 s1, $0x6  }
0x142: {  	s7 =	simm.s32 $0x2C0;
	s20 =	simm.s32 $0x2;
	v3 =	vld [tilespmem:s3+$0x0];
	s1 =	sadd.s32 $0x0, s1  }
0x143: {  	s31 =	simm.s32 $0x220;
	v5 =	vld [tilespmem:s18+$0xFFFFFFD0];
	s2 =	simm.s32 $0x4;
	s1 =	sor.u32 $0x280, s1  }
0x144: {  	s29 =	sadd.s32 $0x40, s18;
	s22 =	sand.u32 $0x3, s20;
	s15 =	sand.u32 $0x7, s2;
	v4 =	vld [tilespmem:s1+$0x0]  }
0x145: {  	p0 =	por !p0, !p0;
	v8 =	vld [tilespmem:s18+$0xFFFFFFE0];
	s15 =	sshll.u32 s15, $0x4;
	s1 =	sshll.u32 s22, $0x5  }
0x146: {  	v9 =	vld [tilespmem:s18+$0xFFFFFFF0];
	s3 =	simm.s32 $0x1;
	s15 =	sadd.s32 $0x200, s15;
	s1 =	sadd.s32 $0x220, s1  }
0x147: {  	s24 =	sadd.s32 $0x30, s15;
	s15 =	sadd.s32 $0x10, s15;
	s1 =	sor.u32 $0x280, s1;
	v3 =	vadd.f32 v2, v3  }
0x148: {  	s26 =	simm.s32 $0x4;
	s3 =	simm.s32 @!p0 $0x0;
	s15 =	sor.u32 $0x280, s15;
	v2 =	vld [tilespmem:s1+$0x0]  }
0x149: {  	s20 =	simm.s32 $0x4;
	s16 =	smov.u32 s18;
	s3 =	sshll.u32 s3, $0x6;
	[tilespmem:s18+$0x0] =	vst v3;
	v3 =	vld [tilespmem:s15+$0x0];
	v10 =	vadd.f32 v5, v4  }
0x14a: {  	p0 =	por !p0, !p0;
	s3 =	sadd.s32 $0x200, s3;
	s1 =	sor.u32 $0x280, s24;
	v4 =	vld [tilespmem:s29+$0x0]  }
0x14b: {  	s22 =	simm.s32 $0x200;
	v6 =	vadd.f32 v8, v6;
	v7 =	vadd.f32 v9, v7;
	s24 =	smov.u32 s29;
	v5 =	vld [tilespmem:s1+$0x0];
	s1 =	sor.u32 $0x280, s3;
	[tilespmem:s18+$0xFFFFFFD0] =	vst v10  }
.LBB2_25:
0x14c: {  	s3 =	simm.s32 $0x1;
	s15 =	sand.u32 $0x3, s20  }
0x14d: {  	v8 =	vld [tilespmem:s1+$0x0];
	s31 =	sadd.s32 $0x200, s31;
	[tilespmem:s16+$0xFFFFFFE0] =	vst v6;
	s2 =	sadd.s32 $0x4, s2;
	s3 =	simm.s32 @!p0 $0x0  }
0x14e: {  	s26 =	sadd.s32 $0x4, s26;
	s1 =	sshll.u32 s3, $0x6;
	s3 =	sshll.u32 s15, $0x5;
	v6 =	vld [tilespmem:s29+$0xFFFFFFD0];
	[tilespmem:s16+$0xFFFFFFF0] =	vst v7;
	v7 =	vmov v2  }
0x14f: {  	s22 =	sadd.s32 $0x200, s22;
	s15 =	sand.u32 $0x7, s2;
	s3 =	sadd.s32 s3, s31;
	v9 =	vld [tilespmem:s29+$0xFFFFFFE0]  }
0x150: {  	p1 =	slt.u32 s26, $0x78;
	s15 =	sshll.u32 s15, $0x4;
	v4 =	vadd.f32 v4, v5;
	s1 =	sadd.s32 s1, s22;
	v10 =	vld [tilespmem:s29+$0xFFFFFFF0]  }
.Ltmp11:
0x151: {  	s15 =	sadd.s32 s15, s22;
	s3 =	sor.u32 $0x280, s3;
	(pc) =	sbr.rel @p1 .LBB2_25-.Ltmp11, $4  }
0x152: {  	s29 =	sadd.s32 $0x40, s29;
	s16 =	sadd.s32 $0x10, s15;
	v2 =	vld [tilespmem:s3+$0x0];
	s3 =	sadd.s32 $0x30, s15;
	[tilespmem:s24+$0x0] =	vst v4  }
0x153: {  	s1 =	sor.u32 $0x280, s1;
	s15 =	sor.u32 $0x280, s16;
	s3 =	sor.u32 $0x280, s3;
	v4 =	vld [tilespmem:s29+$0x0];
	v8 =	vadd.f32 v6, v8  }
0x154: {  	s16 =	smov.u32 s24;
	s24 =	smov.u32 s29;
	v5 =	vld [tilespmem:s3+$0x0];
	v6 =	vadd.f32 v9, v3  }
0x155: {  	s20 =	sadd.s32 $0x2, s20;
	p0 =	por !p0, !p0;
	s3 =	simm.s32 $0x3E00;
	v3 =	vld [tilespmem:s15+$0x0];
	[tilespmem:s16+$0xFFFFFFD0] =	vst v8;
	v7 =	vadd.f32 v10, v7  }
0x156: {  	v8 =	vld [tilespmem:s1+$0x0]  }
0x157: {  	v9 =	vld [tilespmem:s29+$0xFFFFFFD0]  }
0x158: {  	v10 =	vld [tilespmem:s29+$0xFFFFFFE0]  }
0x159: {  	v11 =	vld [tilespmem:s29+$0xFFFFFFF0];
	_ =	sdelay $0x1  }
0x15a: {  	[tilespmem:s16+$0xFFFFFFE0] =	vst v6;
	v4 =	vadd.f32 v4, v5  }
0x15b: {  	[tilespmem:s16+$0xFFFFFFF0] =	vst v7;
	v63 =	vadd.f32 v9, v8  }
0x15c: {  	[tilespmem:s24+$0x0] =	vst v4;
	v3 =	vadd.f32 v10, v3  }
0x15d: {  	v2 =	vadd.f32 v11, v2;
	[tilespmem:s24+$0xFFFFFFD0] =	vst v63  }
0x15e: {  	[tilespmem:s24+$0xFFFFFFE0] =	vst v3  }
0x15f: {  	[tilespmem:s24+$0xFFFFFFF0] =	vst v2  }
0x160: {  	s1 =	sld [smem:$0x7EF]  }
.LBB2_27:
0x161: {  	s2 =	sand.u32 $0x3FFFFC00, s3  }
0x162: {  	v3 =	vld [tilespmem:s1+$0x0];
	s2 =	sadd.s32 s2, s7  }
0x163: {  	v2 =	vld [tilespmem:s2+$0x0];
	_ =	sdelay $0x1  }
0x164: {  	p0 =	sne.s32 s3, $0x3F00  }
.Ltmp12:
0x165: {  	_ = 	snop;
	(pc) =	sbr.rel @p0 .LBB2_27-.Ltmp12, $3  }
0x166: {  	_ = 	snop  }
0x167: {  	v2 =	vadd.f32 v3, v2;
	_ =	sdelay $0x1  }
0x168: {  	s3 =	sadd.s32 $0x80, s3;
	s7 =	sadd.s32 $0x10, s7;
	[tilespmem:s1+$0x0] =	vst v2;
	s1 =	sadd.s32 $0x10, s1  }
0x169: {  	v2 =	vld [tilespmem:$0x3EF0]  }
0x16a: {  	s1 =	ssub.s32 $0x8FEA, s9  }
0x16b: {  	v3 =	vld [tilespmem:s1+$0x0];
	_ =	sdelay $0x2  }
0x16c: {  	s2 =	simm.s32 $0x0;
	v2 =	vmul.f32 v1, v2  }
0x16d: {  	s3 =	sand.u32 $0x3, s2  }
0x16e: {  	s2 =	sand.u32 $0x7, s2;
	s3 =	sshll.u32 s3, $0x5;
	v2 =	vadd.f32 v2, v3  }
0x16f: {  	s2 =	sshll.u32 s2, $0x4;
	s3 =	sadd.s32 $0x20, s3  }
0x170: {  	p0 =	por $0x0, $0x0;
	s2 =	sadd.s32 $0x0, s2;
	s3 =	sor.u32 $0x300, s3;
	[tilespmem:s1+$0x0] =	vst v2  }
0x171: {  	s16 =	sadd.s32 $0x30, s2;
	s2 =	sadd.s32 $0x10, s2;
	s1 =	simm.s32 $0x1;
	v7 =	vld [tilespmem:s3+$0x0]  }
0x172: {  	s2 =	sor.u32 $0x300, s2;
	s1 =	simm.s32 @!p0 $0x0;
	v2 =	vld [tilespmem:s21+$0x0]  }
0x173: {  	s3 =	sor.u32 $0x300, s16;
	v6 =	vld [tilespmem:s2+$0x0];
	s1 =	sshll.u32 s1, $0x6  }
0x174: {  	s7 =	simm.s32 $0x340;
	s20 =	simm.s32 $0x2;
	v3 =	vld [tilespmem:s3+$0x0];
	s1 =	sadd.s32 $0x0, s1  }
0x175: {  	s31 =	simm.s32 $0x220;
	v5 =	vld [tilespmem:s21+$0xFFFFFFD0];
	s2 =	simm.s32 $0x4;
	s1 =	sor.u32 $0x300, s1  }
0x176: {  	s29 =	sadd.s32 $0x40, s21;
	s22 =	sand.u32 $0x3, s20;
	s15 =	sand.u32 $0x7, s2;
	v4 =	vld [tilespmem:s1+$0x0]  }
0x177: {  	p0 =	por !p0, !p0;
	v8 =	vld [tilespmem:s21+$0xFFFFFFE0];
	s15 =	sshll.u32 s15, $0x4;
	s1 =	sshll.u32 s22, $0x5  }
0x178: {  	v9 =	vld [tilespmem:s21+$0xFFFFFFF0];
	s3 =	simm.s32 $0x1;
	s15 =	sadd.s32 $0x200, s15;
	s1 =	sadd.s32 $0x220, s1  }
0x179: {  	s24 =	sadd.s32 $0x30, s15;
	s15 =	sadd.s32 $0x10, s15;
	s1 =	sor.u32 $0x300, s1;
	v3 =	vadd.f32 v2, v3  }
0x17a: {  	s26 =	simm.s32 $0x4;
	s3 =	simm.s32 @!p0 $0x0;
	s15 =	sor.u32 $0x300, s15;
	v2 =	vld [tilespmem:s1+$0x0]  }
0x17b: {  	s20 =	simm.s32 $0x4;
	s16 =	smov.u32 s21;
	s3 =	sshll.u32 s3, $0x6;
	[tilespmem:s21+$0x0] =	vst v3;
	v3 =	vld [tilespmem:s15+$0x0];
	v10 =	vadd.f32 v5, v4  }
0x17c: {  	p0 =	por !p0, !p0;
	s3 =	sadd.s32 $0x200, s3;
	s1 =	sor.u32 $0x300, s24;
	v4 =	vld [tilespmem:s29+$0x0]  }
0x17d: {  	s22 =	simm.s32 $0x200;
	v6 =	vadd.f32 v8, v6;
	v7 =	vadd.f32 v9, v7;
	s24 =	smov.u32 s29;
	v5 =	vld [tilespmem:s1+$0x0];
	s1 =	sor.u32 $0x300, s3;
	[tilespmem:s21+$0xFFFFFFD0] =	vst v10  }
.LBB2_29:
0x17e: {  	s3 =	simm.s32 $0x1;
	s15 =	sand.u32 $0x3, s20  }
0x17f: {  	v8 =	vld [tilespmem:s1+$0x0];
	s31 =	sadd.s32 $0x200, s31;
	[tilespmem:s16+$0xFFFFFFE0] =	vst v6;
	s2 =	sadd.s32 $0x4, s2;
	s3 =	simm.s32 @!p0 $0x0  }
0x180: {  	s26 =	sadd.s32 $0x4, s26;
	s1 =	sshll.u32 s3, $0x6;
	s3 =	sshll.u32 s15, $0x5;
	v6 =	vld [tilespmem:s29+$0xFFFFFFD0];
	[tilespmem:s16+$0xFFFFFFF0] =	vst v7;
	v7 =	vmov v2  }
0x181: {  	s22 =	sadd.s32 $0x200, s22;
	s15 =	sand.u32 $0x7, s2;
	s3 =	sadd.s32 s3, s31;
	v9 =	vld [tilespmem:s29+$0xFFFFFFE0]  }
0x182: {  	p1 =	slt.u32 s26, $0x78;
	s15 =	sshll.u32 s15, $0x4;
	v4 =	vadd.f32 v4, v5;
	s1 =	sadd.s32 s1, s22;
	v10 =	vld [tilespmem:s29+$0xFFFFFFF0]  }
.Ltmp13:
0x183: {  	s15 =	sadd.s32 s15, s22;
	s3 =	sor.u32 $0x300, s3;
	(pc) =	sbr.rel @p1 .LBB2_29-.Ltmp13, $4  }
0x184: {  	s29 =	sadd.s32 $0x40, s29;
	s16 =	sadd.s32 $0x10, s15;
	v2 =	vld [tilespmem:s3+$0x0];
	s3 =	sadd.s32 $0x30, s15;
	[tilespmem:s24+$0x0] =	vst v4  }
0x185: {  	s1 =	sor.u32 $0x300, s1;
	s15 =	sor.u32 $0x300, s16;
	s3 =	sor.u32 $0x300, s3;
	v4 =	vld [tilespmem:s29+$0x0];
	v8 =	vadd.f32 v6, v8  }
0x186: {  	s16 =	smov.u32 s24;
	s24 =	smov.u32 s29;
	v5 =	vld [tilespmem:s3+$0x0];
	v6 =	vadd.f32 v9, v3  }
0x187: {  	s20 =	sadd.s32 $0x2, s20;
	p0 =	por !p0, !p0;
	s3 =	simm.s32 $0x3E00;
	v3 =	vld [tilespmem:s15+$0x0];
	[tilespmem:s16+$0xFFFFFFD0] =	vst v8;
	v7 =	vadd.f32 v10, v7  }
0x188: {  	v8 =	vld [tilespmem:s1+$0x0]  }
0x189: {  	v9 =	vld [tilespmem:s29+$0xFFFFFFD0]  }
0x18a: {  	v10 =	vld [tilespmem:s29+$0xFFFFFFE0]  }
0x18b: {  	v11 =	vld [tilespmem:s29+$0xFFFFFFF0];
	_ =	sdelay $0x1  }
0x18c: {  	[tilespmem:s16+$0xFFFFFFE0] =	vst v6;
	v4 =	vadd.f32 v4, v5  }
0x18d: {  	[tilespmem:s16+$0xFFFFFFF0] =	vst v7;
	v63 =	vadd.f32 v9, v8  }
0x18e: {  	[tilespmem:s24+$0x0] =	vst v4;
	v3 =	vadd.f32 v10, v3  }
0x18f: {  	v2 =	vadd.f32 v11, v2;
	[tilespmem:s24+$0xFFFFFFD0] =	vst v63  }
0x190: {  	[tilespmem:s24+$0xFFFFFFE0] =	vst v3  }
0x191: {  	[tilespmem:s24+$0xFFFFFFF0] =	vst v2  }
0x192: {  	s1 =	sld [smem:$0x7EE]  }
.LBB2_31:
0x193: {  	s2 =	sand.u32 $0x3FFFFC00, s3  }
0x194: {  	v3 =	vld [tilespmem:s1+$0x0];
	s2 =	sadd.s32 s2, s7  }
0x195: {  	v2 =	vld [tilespmem:s2+$0x0];
	_ =	sdelay $0x1  }
0x196: {  	p0 =	sne.s32 s3, $0x3F00  }
.Ltmp14:
0x197: {  	_ = 	snop;
	(pc) =	sbr.rel @p0 .LBB2_31-.Ltmp14, $3  }
0x198: {  	_ = 	snop  }
0x199: {  	v2 =	vadd.f32 v3, v2;
	_ =	sdelay $0x1  }
0x19a: {  	s3 =	sadd.s32 $0x80, s3;
	s7 =	sadd.s32 $0x10, s7;
	[tilespmem:s1+$0x0] =	vst v2;
	s1 =	sadd.s32 $0x10, s1  }
0x19b: {  	v2 =	vld [tilespmem:$0x3F70]  }
0x19c: {  	s1 =	ssub.s32 $0x8FE9, s9  }
0x19d: {  	v3 =	vld [tilespmem:s1+$0x0];
	_ =	sdelay $0x2  }
0x19e: {  	s2 =	simm.s32 $0x0;
	v2 =	vmul.f32 v1, v2  }
0x19f: {  	s3 =	sand.u32 $0x3, s2  }
0x1a0: {  	s2 =	sand.u32 $0x7, s2;
	s3 =	sshll.u32 s3, $0x5;
	v2 =	vadd.f32 v2, v3  }
0x1a1: {  	s2 =	sshll.u32 s2, $0x4;
	s3 =	sadd.s32 $0x20, s3  }
0x1a2: {  	p0 =	por $0x0, $0x0;
	s2 =	sadd.s32 $0x0, s2;
	s3 =	sor.u32 $0x380, s3;
	[tilespmem:s1+$0x0] =	vst v2  }
0x1a3: {  	s16 =	sadd.s32 $0x30, s2;
	s2 =	sadd.s32 $0x10, s2;
	s1 =	simm.s32 $0x1;
	v7 =	vld [tilespmem:s3+$0x0]  }
0x1a4: {  	s2 =	sor.u32 $0x380, s2;
	s1 =	simm.s32 @!p0 $0x0;
	v2 =	vld [tilespmem:s23+$0x0]  }
0x1a5: {  	s3 =	sor.u32 $0x380, s16;
	v6 =	vld [tilespmem:s2+$0x0];
	s1 =	sshll.u32 s1, $0x6  }
0x1a6: {  	s7 =	simm.s32 $0x3E40;
	s20 =	simm.s32 $0x2;
	v3 =	vld [tilespmem:s3+$0x0];
	s1 =	sadd.s32 $0x0, s1  }
0x1a7: {  	s31 =	simm.s32 $0x220;
	v5 =	vld [tilespmem:s23+$0xFFFFFFD0];
	s2 =	simm.s32 $0x4;
	s1 =	sor.u32 $0x380, s1  }
0x1a8: {  	s29 =	sadd.s32 $0x40, s23;
	s22 =	sand.u32 $0x3, s20;
	s15 =	sand.u32 $0x7, s2;
	v4 =	vld [tilespmem:s1+$0x0]  }
0x1a9: {  	p0 =	por !p0, !p0;
	v8 =	vld [tilespmem:s23+$0xFFFFFFE0];
	s15 =	sshll.u32 s15, $0x4;
	s1 =	sshll.u32 s22, $0x5  }
0x1aa: {  	v9 =	vld [tilespmem:s23+$0xFFFFFFF0];
	s3 =	simm.s32 $0x1;
	s15 =	sadd.s32 $0x200, s15;
	s1 =	sadd.s32 $0x220, s1  }
0x1ab: {  	s24 =	sadd.s32 $0x30, s15;
	s15 =	sadd.s32 $0x10, s15;
	s1 =	sor.u32 $0x380, s1;
	v3 =	vadd.f32 v2, v3  }
0x1ac: {  	s26 =	simm.s32 $0x4;
	s3 =	simm.s32 @!p0 $0x0;
	s15 =	sor.u32 $0x380, s15;
	v2 =	vld [tilespmem:s1+$0x0]  }
0x1ad: {  	s20 =	simm.s32 $0x4;
	s16 =	smov.u32 s23;
	s3 =	sshll.u32 s3, $0x6;
	[tilespmem:s23+$0x0] =	vst v3;
	v3 =	vld [tilespmem:s15+$0x0];
	v10 =	vadd.f32 v5, v4  }
0x1ae: {  	p0 =	por !p0, !p0;
	s3 =	sadd.s32 $0x200, s3;
	s1 =	sor.u32 $0x380, s24;
	v4 =	vld [tilespmem:s29+$0x0]  }
0x1af: {  	s22 =	simm.s32 $0x200;
	v6 =	vadd.f32 v8, v6;
	v7 =	vadd.f32 v9, v7;
	s24 =	smov.u32 s29;
	v5 =	vld [tilespmem:s1+$0x0];
	s1 =	sor.u32 $0x380, s3;
	[tilespmem:s23+$0xFFFFFFD0] =	vst v10  }
.LBB2_33:
0x1b0: {  	s3 =	simm.s32 $0x1;
	s15 =	sand.u32 $0x3, s20  }
0x1b1: {  	v8 =	vld [tilespmem:s1+$0x0];
	s31 =	sadd.s32 $0x200, s31;
	[tilespmem:s16+$0xFFFFFFE0] =	vst v6;
	s2 =	sadd.s32 $0x4, s2;
	s3 =	simm.s32 @!p0 $0x0  }
0x1b2: {  	s26 =	sadd.s32 $0x4, s26;
	s1 =	sshll.u32 s3, $0x6;
	s3 =	sshll.u32 s15, $0x5;
	v6 =	vld [tilespmem:s29+$0xFFFFFFD0];
	[tilespmem:s16+$0xFFFFFFF0] =	vst v7;
	v7 =	vmov v2  }
0x1b3: {  	s22 =	sadd.s32 $0x200, s22;
	s15 =	sand.u32 $0x7, s2;
	s3 =	sadd.s32 s3, s31;
	v9 =	vld [tilespmem:s29+$0xFFFFFFE0]  }
0x1b4: {  	p1 =	slt.u32 s26, $0x78;
	s15 =	sshll.u32 s15, $0x4;
	v4 =	vadd.f32 v4, v5;
	s1 =	sadd.s32 s1, s22;
	v10 =	vld [tilespmem:s29+$0xFFFFFFF0]  }
.Ltmp15:
0x1b5: {  	s15 =	sadd.s32 s15, s22;
	s3 =	sor.u32 $0x380, s3;
	(pc) =	sbr.rel @p1 .LBB2_33-.Ltmp15, $4  }
0x1b6: {  	s29 =	sadd.s32 $0x40, s29;
	s16 =	sadd.s32 $0x10, s15;
	v2 =	vld [tilespmem:s3+$0x0];
	s3 =	sadd.s32 $0x30, s15;
	[tilespmem:s24+$0x0] =	vst v4  }
0x1b7: {  	s1 =	sor.u32 $0x380, s1;
	s15 =	sor.u32 $0x380, s16;
	s3 =	sor.u32 $0x380, s3;
	v4 =	vld [tilespmem:s29+$0x0];
	v8 =	vadd.f32 v6, v8  }
0x1b8: {  	s16 =	smov.u32 s24;
	s24 =	smov.u32 s29;
	v5 =	vld [tilespmem:s3+$0x0];
	v6 =	vadd.f32 v9, v3  }
0x1b9: {  	s20 =	sadd.s32 $0x2, s20;
	p0 =	por !p0, !p0;
	s3 =	simm.s32 $0x40;
	v3 =	vld [tilespmem:s15+$0x0];
	[tilespmem:s16+$0xFFFFFFD0] =	vst v8;
	v7 =	vadd.f32 v10, v7  }
0x1ba: {  	v8 =	vld [tilespmem:s1+$0x0]  }
0x1bb: {  	v9 =	vld [tilespmem:s29+$0xFFFFFFD0]  }
0x1bc: {  	v10 =	vld [tilespmem:s29+$0xFFFFFFE0]  }
0x1bd: {  	v11 =	vld [tilespmem:s29+$0xFFFFFFF0];
	_ =	sdelay $0x1  }
0x1be: {  	[tilespmem:s16+$0xFFFFFFE0] =	vst v6;
	v4 =	vadd.f32 v4, v5  }
0x1bf: {  	[tilespmem:s16+$0xFFFFFFF0] =	vst v7;
	v63 =	vadd.f32 v9, v8  }
0x1c0: {  	[tilespmem:s24+$0x0] =	vst v4;
	v3 =	vadd.f32 v10, v3  }
0x1c1: {  	v2 =	vadd.f32 v11, v2;
	[tilespmem:s24+$0xFFFFFFD0] =	vst v63  }
0x1c2: {  	[tilespmem:s24+$0xFFFFFFE0] =	vst v3  }
0x1c3: {  	[tilespmem:s24+$0xFFFFFFF0] =	vst v2  }
0x1c4: {  	s1 =	sld [smem:$0x7ED]  }
.LBB2_35:
0x1c5: {  	s2 =	sor.u32 $0x380, s7;
	v3 =	vld [tilespmem:s1+$0x0]  }
0x1c6: {  	v2 =	vld [tilespmem:s2+$0x0];
	_ =	sdelay $0x1  }
0x1c7: {  	p0 =	sne.s32 s3, $0x60  }
.Ltmp16:
0x1c8: {  	_ = 	snop;
	(pc) =	sbr.rel @p0 .LBB2_35-.Ltmp16, $3  }
0x1c9: {  	_ = 	snop  }
0x1ca: {  	v2 =	vadd.f32 v3, v2;
	_ =	sdelay $0x1  }
0x1cb: {  	s7 =	sadd.s32 $0x90, s7;
	s3 =	sadd.s32 $0x10, s3;
	[tilespmem:s1+$0x0] =	vst v2;
	s1 =	sadd.s32 $0x10, s1  }
0x1cc: {  	v2 =	vld [tilespmem:$0x3FF0]  }
0x1cd: {  	s1 =	ssub.s32 $0x8FE8, s9  }
0x1ce: {  	v3 =	vld [tilespmem:s1+$0x0];
	_ =	sdelay $0x2  }
0x1cf: {  	v2 =	vmul.f32 v1, v2;
	_ =	sdelay $0x1  }
0x1d0: {  	v2 =	vadd.f32 v2, v3;
	_ =	sdelay $0x1  }
0x1d1: {  	s3 =	simm.s32 $0x2;
	[tilespmem:s1+$0x0] =	vst v2  }
0x1d2: {  	s1 =	sld [smem:$0x7E6];
	_ =	swait.ge [sflag:s3], $0x4000  }
0x1d3: {  	s2 =	sld [smem:$0x7FD]  }
0x1d4: {  	p0 =	seq.s32 s11, $0xF  }
0x1d5: {  	[sflag:s3] =	ssyncset.done $0x0;
	s1 =	sshll.u32 @!p0 s1, $0xE  }
0x1d6: {  	[sflag:s3] =	ssyncadd.s32 $0xFFFFC000;
	s1 =	sadd.s32 @!p0 s1, s2  }
0x1d7: {  	s2 =	rddreg [dreg:$0x0];
	s1 =	sshrl.u32 @!p0 s1, $0x3  }
0x1d8: {  	s1 =	sadd.s32 @!p0 s2, s1;
	s2 =	simm.s32 @!p0 $0x0  }
0x1d9: {  	[tilespmem:s2], [sflag:$0x1] =	stream.linear.gather @!p0 [hbm4b:s1+s2], $0x4000, $0x38;
	[tilespmem:$0x9000] =	vst v63  }
0x1da: {  	s20 =	simm.s32 $0x0;
	v5 =	vld [tilespmem:s25+$0xFFFFFFD0]  }
0x1db: {  	s24 =	simm.s32 $0x30;
	s7 =	simm.s32 $0x10;
	s22 =	sand.u32 $0x3C00, s20;
	v3 =	vld [tilespmem:s25+$0xFFFFFFE0]  }
0x1dc: {  	s29 =	sld [smem:$0x7E5];
	s3 =	sand.u32 $0x70, s24;
	s2 =	sor.u32 $0x4000, s22;
	v4 =	vld [tilespmem:s25+$0x0]  }
0x1dd: {  	s26 =	simm.s32 $0x20;
	s1 =	sand.u32 $0x40, s20;
	s3 =	sor.u32 s3, s2;
	v2 =	vld [tilespmem:s25+$0xFFFFFFF0]  }
0x1de: {  	s7 =	sand.u32 $0x50, s7;
	s24 =	simm.s32 $0x200;
	s1 =	sor.u32 s1, s2;
	v6 =	vld [tilespmem:s3+$0x0]  }
0x1df: {  	s9 =	sshll.u32 s29, $0x3;
	s15 =	sor.u32 s7, s2;
	s3 =	sand.u32 $0x60, s26;
	v9 =	vld [tilespmem:s1+$0x0]  }
0x1e0: {  	s22 =	simm.s32 $0x40;
	s20 =	smov.u32 s25;
	v7 =	vld [tilespmem:s15+$0x0];
	s31 =	sor.u32 s3, s2  }
0x1e1: {  	s7 =	simm.s32 $0x0;
	s26 =	sadd.s32 $0x40, s25;
	s2 =	simm.s32 $0x4040;
	v8 =	vld [tilespmem:s31+$0x0]  }
.LBB2_37:
0x1e2: {  	s1 =	sand.u32 $0x3C00, s24  }
0x1e3: {  	v10 =	vld [tilespmem:s26+$0xFFFFFFD0];
	s3 =	sadd.s32 $0x30, s22;
	s7 =	sadd.s32 $0x4, s7;
	v6 =	vadd.f32 v4, v6;
	s15 =	sadd.s32 $0x10, s22  }
0x1e4: {  	s1 =	sor.u32 $0x4000, s1;
	v11 =	vld [tilespmem:s26+$0xFFFFFFE0];
	s3 =	sand.u32 $0x70, s3;
	p0 =	slt.u32 s7, $0x78  }
0x1e5: {  	s16 =	sadd.s32 $0x20, s22;
	s29 =	sand.u32 $0x40, s22;
	s3 =	sor.u32 s3, s1;
	v4 =	vld [tilespmem:s26+$0x0];
	v12 =	vadd.f32 v5, v9;
	[tilespmem:s20+$0x0] =	vst v6  }
.Ltmp17:
0x1e6: {  	s15 =	sand.u32 $0x50, s15;
	s16 =	sand.u32 $0x60, s16;
	v6 =	vld [tilespmem:s3+$0x0];
	v13 =	vadd.f32 v3, v7;
	(pc) =	sbr.rel @p0 .LBB2_37-.Ltmp17, $4  }
0x1e7: {  	s15 =	sor.u32 s15, s1;
	s3 =	sor.u32 s29, s1;
	s1 =	sor.u32 s16, s1;
	[tilespmem:s20+$0xFFFFFFD0] =	vst v12;
	v8 =	vadd.f32 v2, v8;
	v2 =	vld [tilespmem:s26+$0xFFFFFFF0]  }
0x1e8: {  	v9 =	vld [tilespmem:s3+$0x0];
	[tilespmem:s20+$0xFFFFFFE0] =	vst v13;
	v5 =	vmov v10  }
0x1e9: {  	s3 =	simm.s32 $0x3E00;
	v7 =	vld [tilespmem:s15+$0x0];
	[tilespmem:s20+$0xFFFFFFF0] =	vst v8;
	v3 =	vmov v11;
	s20 =	smov.u32 s26  }
0x1ea: {  	s22 =	sadd.s32 $0x40, s22;
	s24 =	sadd.s32 $0x200, s24;
	s26 =	sadd.s32 $0x40, s26;
	v8 =	vld [tilespmem:s1+$0x0]  }
0x1eb: {  	_ = 	snop  }
0x1ec: {  	v4 =	vadd.f32 v4, v6  }
0x1ed: {  	v5 =	vadd.f32 v5, v9  }
0x1ee: {  	[tilespmem:s20+$0x0] =	vst v4;
	v3 =	vadd.f32 v3, v7  }
0x1ef: {  	[tilespmem:s20+$0xFFFFFFD0] =	vst v5;
	v2 =	vadd.f32 v2, v8  }
0x1f0: {  	[tilespmem:s20+$0xFFFFFFE0] =	vst v3  }
0x1f1: {  	[tilespmem:s20+$0xFFFFFFF0] =	vst v2  }
0x1f2: {  	s1 =	sld [smem:$0x7EC]  }
.LBB2_39:
0x1f3: {  	s7 =	sand.u32 $0x3FFFFC00, s3  }
0x1f4: {  	v3 =	vld [tilespmem:s1+$0x0];
	s7 =	sadd.s32 s7, s2  }
0x1f5: {  	v2 =	vld [tilespmem:s7+$0x0];
	_ =	sdelay $0x1  }
0x1f6: {  	p0 =	sne.s32 s3, $0x3F00  }
.Ltmp18:
0x1f7: {  	_ = 	snop;
	(pc) =	sbr.rel @p0 .LBB2_39-.Ltmp18, $3  }
0x1f8: {  	_ = 	snop  }
0x1f9: {  	v2 =	vadd.f32 v3, v2;
	_ =	sdelay $0x1  }
0x1fa: {  	s3 =	sadd.s32 $0x80, s3;
	s2 =	sadd.s32 $0x10, s2;
	[tilespmem:s1+$0x0] =	vst v2;
	s1 =	sadd.s32 $0x10, s1  }
0x1fb: {  	v2 =	vld [tilespmem:$0x7C70]  }
0x1fc: {  	s1 =	ssub.s32 $0x8FEF, s9  }
0x1fd: {  	v3 =	vld [tilespmem:s1+$0x0];
	_ =	sdelay $0x2  }
0x1fe: {  	v2 =	vmul.f32 v1, v2;
	_ =	sdelay $0x1  }
0x1ff: {  	v2 =	vadd.f32 v2, v3;
	_ =	sdelay $0x1  }
0x200: {  	s26 =	simm.s32 $0x0;
	[tilespmem:s1+$0x0] =	vst v2  }
0x201: {  	s3 =	simm.s32 $0x30;
	s2 =	sand.u32 $0x3C00, s26;
	v5 =	vld [tilespmem:s28+$0xFFFFFFD0]  }
0x202: {  	s3 =	sand.u32 $0x70, s3;
	s2 =	sor.u32 $0x4000, s2;
	v3 =	vld [tilespmem:s28+$0xFFFFFFE0]  }
0x203: {  	s7 =	simm.s32 $0x10;
	s3 =	sor.u32 s3, s2;
	v4 =	vld [tilespmem:s28+$0x0]  }
0x204: {  	s7 =	sand.u32 $0x50, s7;
	v6 =	vld [tilespmem:s3+$0x80]  }
0x205: {  	s29 =	simm.s32 $0x20;
	s15 =	sor.u32 s7, s2;
	s1 =	sand.u32 $0x40, s26;
	v2 =	vld [tilespmem:s28+$0xFFFFFFF0]  }
0x206: {  	s22 =	simm.s32 $0x40;
	s1 =	sor.u32 s1, s2;
	s3 =	sand.u32 $0x60, s29;
	v7 =	vld [tilespmem:s15+$0x80]  }
0x207: {  	s24 =	simm.s32 $0x200;
	s20 =	smov.u32 s28;
	v9 =	vld [tilespmem:s1+$0x80];
	s31 =	sor.u32 s3, s2  }
0x208: {  	s7 =	simm.s32 $0x0;
	s26 =	sadd.s32 $0x40, s28;
	s2 =	simm.s32 $0x40C0;
	v8 =	vld [tilespmem:s31+$0x80]  }
.LBB2_41:
0x209: {  	s1 =	sand.u32 $0x3C00, s24  }
0x20a: {  	v10 =	vld [tilespmem:s26+$0xFFFFFFD0];
	s3 =	sadd.s32 $0x30, s22;
	s7 =	sadd.s32 $0x4, s7;
	v6 =	vadd.f32 v4, v6;
	s15 =	sadd.s32 $0x10, s22  }
0x20b: {  	s1 =	sor.u32 $0x4000, s1;
	v11 =	vld [tilespmem:s26+$0xFFFFFFE0];
	s3 =	sand.u32 $0x70, s3;
	p0 =	slt.u32 s7, $0x78  }
0x20c: {  	s16 =	sadd.s32 $0x20, s22;
	s29 =	sand.u32 $0x40, s22;
	s3 =	sor.u32 s3, s1;
	v4 =	vld [tilespmem:s26+$0x0];
	v12 =	vadd.f32 v5, v9;
	[tilespmem:s20+$0x0] =	vst v6  }
.Ltmp19:
0x20d: {  	s15 =	sand.u32 $0x50, s15;
	s16 =	sand.u32 $0x60, s16;
	v6 =	vld [tilespmem:s3+$0x80];
	v13 =	vadd.f32 v3, v7;
	(pc) =	sbr.rel @p0 .LBB2_41-.Ltmp19, $4  }
0x20e: {  	s15 =	sor.u32 s15, s1;
	s3 =	sor.u32 s29, s1;
	s1 =	sor.u32 s16, s1;
	[tilespmem:s20+$0xFFFFFFD0] =	vst v12;
	v8 =	vadd.f32 v2, v8;
	v2 =	vld [tilespmem:s26+$0xFFFFFFF0]  }
0x20f: {  	v9 =	vld [tilespmem:s3+$0x80];
	[tilespmem:s20+$0xFFFFFFE0] =	vst v13;
	v5 =	vmov v10  }
0x210: {  	s3 =	simm.s32 $0x3E00;
	v7 =	vld [tilespmem:s15+$0x80];
	[tilespmem:s20+$0xFFFFFFF0] =	vst v8;
	v3 =	vmov v11;
	s20 =	smov.u32 s26  }
0x211: {  	s22 =	sadd.s32 $0x40, s22;
	s24 =	sadd.s32 $0x200, s24;
	s26 =	sadd.s32 $0x40, s26;
	v8 =	vld [tilespmem:s1+$0x80]  }
0x212: {  	_ = 	snop  }
0x213: {  	v4 =	vadd.f32 v4, v6  }
0x214: {  	v5 =	vadd.f32 v5, v9  }
0x215: {  	[tilespmem:s20+$0x0] =	vst v4;
	v3 =	vadd.f32 v3, v7  }
0x216: {  	[tilespmem:s20+$0xFFFFFFD0] =	vst v5;
	v2 =	vadd.f32 v2, v8  }
0x217: {  	[tilespmem:s20+$0xFFFFFFE0] =	vst v3  }
0x218: {  	[tilespmem:s20+$0xFFFFFFF0] =	vst v2  }
0x219: {  	s1 =	sld [smem:$0x7EB]  }
.LBB2_43:
0x21a: {  	s7 =	sand.u32 $0x3FFFFC00, s3  }
0x21b: {  	v3 =	vld [tilespmem:s1+$0x0];
	s7 =	sadd.s32 s7, s2  }
0x21c: {  	v2 =	vld [tilespmem:s7+$0x0];
	_ =	sdelay $0x1  }
0x21d: {  	p0 =	sne.s32 s3, $0x3F00  }
.Ltmp20:
0x21e: {  	_ = 	snop;
	(pc) =	sbr.rel @p0 .LBB2_43-.Ltmp20, $3  }
0x21f: {  	_ = 	snop  }
0x220: {  	v2 =	vadd.f32 v3, v2;
	_ =	sdelay $0x1  }
0x221: {  	s3 =	sadd.s32 $0x80, s3;
	s2 =	sadd.s32 $0x10, s2;
	[tilespmem:s1+$0x0] =	vst v2;
	s1 =	sadd.s32 $0x10, s1  }
0x222: {  	v2 =	vld [tilespmem:$0x7CF0]  }
0x223: {  	s1 =	ssub.s32 $0x8FEE, s9  }
0x224: {  	v3 =	vld [tilespmem:s1+$0x0];
	_ =	sdelay $0x2  }
0x225: {  	v2 =	vmul.f32 v1, v2;
	_ =	sdelay $0x1  }
0x226: {  	v2 =	vadd.f32 v2, v3;
	_ =	sdelay $0x1  }
0x227: {  	s26 =	simm.s32 $0x0;
	[tilespmem:s1+$0x0] =	vst v2  }
0x228: {  	s3 =	simm.s32 $0x30;
	s2 =	sand.u32 $0x3C00, s26;
	v5 =	vld [tilespmem:s30+$0xFFFFFFD0]  }
0x229: {  	s3 =	sand.u32 $0x70, s3;
	s2 =	sor.u32 $0x4000, s2;
	v3 =	vld [tilespmem:s30+$0xFFFFFFE0]  }
0x22a: {  	s7 =	simm.s32 $0x10;
	s3 =	sor.u32 s3, s2;
	v4 =	vld [tilespmem:s30+$0x0]  }
0x22b: {  	s7 =	sand.u32 $0x50, s7;
	v6 =	vld [tilespmem:s3+$0x100]  }
0x22c: {  	s29 =	simm.s32 $0x20;
	s15 =	sor.u32 s7, s2;
	s1 =	sand.u32 $0x40, s26;
	v2 =	vld [tilespmem:s30+$0xFFFFFFF0]  }
0x22d: {  	s22 =	simm.s32 $0x40;
	s1 =	sor.u32 s1, s2;
	s3 =	sand.u32 $0x60, s29;
	v7 =	vld [tilespmem:s15+$0x100]  }
0x22e: {  	s24 =	simm.s32 $0x200;
	s20 =	smov.u32 s30;
	v9 =	vld [tilespmem:s1+$0x100];
	s31 =	sor.u32 s3, s2  }
0x22f: {  	s7 =	simm.s32 $0x0;
	s26 =	sadd.s32 $0x40, s30;
	s2 =	simm.s32 $0x4140;
	v8 =	vld [tilespmem:s31+$0x100]  }
.LBB2_45:
0x230: {  	s1 =	sand.u32 $0x3C00, s24  }
0x231: {  	v10 =	vld [tilespmem:s26+$0xFFFFFFD0];
	s3 =	sadd.s32 $0x30, s22;
	s7 =	sadd.s32 $0x4, s7;
	v6 =	vadd.f32 v4, v6;
	s15 =	sadd.s32 $0x10, s22  }
0x232: {  	s1 =	sor.u32 $0x4000, s1;
	v11 =	vld [tilespmem:s26+$0xFFFFFFE0];
	s3 =	sand.u32 $0x70, s3;
	p0 =	slt.u32 s7, $0x78  }
0x233: {  	s16 =	sadd.s32 $0x20, s22;
	s29 =	sand.u32 $0x40, s22;
	s3 =	sor.u32 s3, s1;
	v4 =	vld [tilespmem:s26+$0x0];
	v12 =	vadd.f32 v5, v9;
	[tilespmem:s20+$0x0] =	vst v6  }
.Ltmp21:
0x234: {  	s15 =	sand.u32 $0x50, s15;
	s16 =	sand.u32 $0x60, s16;
	v6 =	vld [tilespmem:s3+$0x100];
	v13 =	vadd.f32 v3, v7;
	(pc) =	sbr.rel @p0 .LBB2_45-.Ltmp21, $4  }
0x235: {  	s15 =	sor.u32 s15, s1;
	s3 =	sor.u32 s29, s1;
	s1 =	sor.u32 s16, s1;
	[tilespmem:s20+$0xFFFFFFD0] =	vst v12;
	v8 =	vadd.f32 v2, v8;
	v2 =	vld [tilespmem:s26+$0xFFFFFFF0]  }
0x236: {  	v9 =	vld [tilespmem:s3+$0x100];
	[tilespmem:s20+$0xFFFFFFE0] =	vst v13;
	v5 =	vmov v10  }
0x237: {  	s3 =	simm.s32 $0x3E00;
	v7 =	vld [tilespmem:s15+$0x100];
	[tilespmem:s20+$0xFFFFFFF0] =	vst v8;
	v3 =	vmov v11;
	s20 =	smov.u32 s26  }
0x238: {  	s22 =	sadd.s32 $0x40, s22;
	s24 =	sadd.s32 $0x200, s24;
	s26 =	sadd.s32 $0x40, s26;
	v8 =	vld [tilespmem:s1+$0x100]  }
0x239: {  	_ = 	snop  }
0x23a: {  	v4 =	vadd.f32 v4, v6  }
0x23b: {  	v5 =	vadd.f32 v5, v9  }
0x23c: {  	[tilespmem:s20+$0x0] =	vst v4;
	v3 =	vadd.f32 v3, v7  }
0x23d: {  	[tilespmem:s20+$0xFFFFFFD0] =	vst v5;
	v2 =	vadd.f32 v2, v8  }
0x23e: {  	[tilespmem:s20+$0xFFFFFFE0] =	vst v3  }
0x23f: {  	[tilespmem:s20+$0xFFFFFFF0] =	vst v2  }
0x240: {  	s1 =	sld [smem:$0x7EA]  }
.LBB2_47:
0x241: {  	s7 =	sand.u32 $0x3FFFFC00, s3  }
0x242: {  	v3 =	vld [tilespmem:s1+$0x0];
	s7 =	sadd.s32 s7, s2  }
0x243: {  	v2 =	vld [tilespmem:s7+$0x0];
	_ =	sdelay $0x1  }
0x244: {  	p0 =	sne.s32 s3, $0x3F00  }
.Ltmp22:
0x245: {  	_ = 	snop;
	(pc) =	sbr.rel @p0 .LBB2_47-.Ltmp22, $3  }
0x246: {  	_ = 	snop  }
0x247: {  	v2 =	vadd.f32 v3, v2;
	_ =	sdelay $0x1  }
0x248: {  	s3 =	sadd.s32 $0x80, s3;
	s2 =	sadd.s32 $0x10, s2;
	[tilespmem:s1+$0x0] =	vst v2;
	s1 =	sadd.s32 $0x10, s1  }
0x249: {  	v2 =	vld [tilespmem:$0x7D70]  }
0x24a: {  	s1 =	ssub.s32 $0x8FED, s9  }
0x24b: {  	v3 =	vld [tilespmem:s1+$0x0];
	_ =	sdelay $0x2  }
0x24c: {  	v2 =	vmul.f32 v1, v2;
	_ =	sdelay $0x1  }
0x24d: {  	v2 =	vadd.f32 v2, v3;
	_ =	sdelay $0x1  }
0x24e: {  	s26 =	simm.s32 $0x0;
	[tilespmem:s1+$0x0] =	vst v2  }
0x24f: {  	s3 =	simm.s32 $0x30;
	s2 =	sand.u32 $0x3C00, s26;
	v5 =	vld [tilespmem:s0+$0xFFFFFFD0]  }
0x250: {  	s3 =	sand.u32 $0x70, s3;
	s2 =	sor.u32 $0x4000, s2;
	v3 =	vld [tilespmem:s0+$0xFFFFFFE0]  }
0x251: {  	s7 =	simm.s32 $0x10;
	s3 =	sor.u32 s3, s2;
	v4 =	vld [tilespmem:s0+$0x0]  }
0x252: {  	s7 =	sand.u32 $0x50, s7;
	v6 =	vld [tilespmem:s3+$0x180]  }
0x253: {  	s29 =	simm.s32 $0x20;
	s15 =	sor.u32 s7, s2;
	s1 =	sand.u32 $0x40, s26;
	v2 =	vld [tilespmem:s0+$0xFFFFFFF0]  }
0x254: {  	s22 =	simm.s32 $0x40;
	s1 =	sor.u32 s1, s2;
	s3 =	sand.u32 $0x60, s29;
	v7 =	vld [tilespmem:s15+$0x180]  }
0x255: {  	s24 =	simm.s32 $0x200;
	s20 =	smov.u32 s0;
	v9 =	vld [tilespmem:s1+$0x180];
	s31 =	sor.u32 s3, s2  }
0x256: {  	s7 =	simm.s32 $0x0;
	s26 =	sadd.s32 $0x40, s0;
	s2 =	simm.s32 $0x41C0;
	v8 =	vld [tilespmem:s31+$0x180]  }
.LBB2_49:
0x257: {  	s1 =	sand.u32 $0x3C00, s24  }
0x258: {  	v10 =	vld [tilespmem:s26+$0xFFFFFFD0];
	s3 =	sadd.s32 $0x30, s22;
	s7 =	sadd.s32 $0x4, s7;
	v6 =	vadd.f32 v4, v6;
	s15 =	sadd.s32 $0x10, s22  }
0x259: {  	s1 =	sor.u32 $0x4000, s1;
	v11 =	vld [tilespmem:s26+$0xFFFFFFE0];
	s3 =	sand.u32 $0x70, s3;
	p0 =	slt.u32 s7, $0x78  }
0x25a: {  	s16 =	sadd.s32 $0x20, s22;
	s29 =	sand.u32 $0x40, s22;
	s3 =	sor.u32 s3, s1;
	v4 =	vld [tilespmem:s26+$0x0];
	v12 =	vadd.f32 v5, v9;
	[tilespmem:s20+$0x0] =	vst v6  }
.Ltmp23:
0x25b: {  	s15 =	sand.u32 $0x50, s15;
	s16 =	sand.u32 $0x60, s16;
	v6 =	vld [tilespmem:s3+$0x180];
	v13 =	vadd.f32 v3, v7;
	(pc) =	sbr.rel @p0 .LBB2_49-.Ltmp23, $4  }
0x25c: {  	s15 =	sor.u32 s15, s1;
	s3 =	sor.u32 s29, s1;
	s1 =	sor.u32 s16, s1;
	[tilespmem:s20+$0xFFFFFFD0] =	vst v12;
	v8 =	vadd.f32 v2, v8;
	v2 =	vld [tilespmem:s26+$0xFFFFFFF0]  }
0x25d: {  	v9 =	vld [tilespmem:s3+$0x180];
	[tilespmem:s20+$0xFFFFFFE0] =	vst v13;
	v5 =	vmov v10  }
0x25e: {  	s3 =	simm.s32 $0x3E00;
	v7 =	vld [tilespmem:s15+$0x180];
	[tilespmem:s20+$0xFFFFFFF0] =	vst v8;
	v3 =	vmov v11;
	s20 =	smov.u32 s26  }
0x25f: {  	s22 =	sadd.s32 $0x40, s22;
	s24 =	sadd.s32 $0x200, s24;
	s26 =	sadd.s32 $0x40, s26;
	v8 =	vld [tilespmem:s1+$0x180]  }
0x260: {  	_ = 	snop  }
0x261: {  	v4 =	vadd.f32 v4, v6  }
0x262: {  	v5 =	vadd.f32 v5, v9  }
0x263: {  	[tilespmem:s20+$0x0] =	vst v4;
	v3 =	vadd.f32 v3, v7  }
0x264: {  	[tilespmem:s20+$0xFFFFFFD0] =	vst v5;
	v2 =	vadd.f32 v2, v8  }
0x265: {  	[tilespmem:s20+$0xFFFFFFE0] =	vst v3  }
0x266: {  	[tilespmem:s20+$0xFFFFFFF0] =	vst v2  }
0x267: {  	s1 =	sld [smem:$0x7E9]  }
.LBB2_51:
0x268: {  	s7 =	sand.u32 $0x3FFFFC00, s3  }
0x269: {  	v3 =	vld [tilespmem:s1+$0x0];
	s7 =	sadd.s32 s7, s2  }
0x26a: {  	v2 =	vld [tilespmem:s7+$0x0];
	_ =	sdelay $0x1  }
0x26b: {  	p0 =	sne.s32 s3, $0x3F00  }
.Ltmp24:
0x26c: {  	_ = 	snop;
	(pc) =	sbr.rel @p0 .LBB2_51-.Ltmp24, $3  }
0x26d: {  	_ = 	snop  }
0x26e: {  	v2 =	vadd.f32 v3, v2;
	_ =	sdelay $0x1  }
0x26f: {  	s3 =	sadd.s32 $0x80, s3;
	s2 =	sadd.s32 $0x10, s2;
	[tilespmem:s1+$0x0] =	vst v2;
	s1 =	sadd.s32 $0x10, s1  }
0x270: {  	v2 =	vld [tilespmem:$0x7DF0]  }
0x271: {  	s1 =	ssub.s32 $0x8FEC, s9  }
0x272: {  	v3 =	vld [tilespmem:s1+$0x0];
	_ =	sdelay $0x2  }
0x273: {  	s2 =	simm.s32 $0x0;
	v2 =	vmul.f32 v1, v2  }
0x274: {  	s3 =	sand.u32 $0x3, s2  }
0x275: {  	s2 =	sand.u32 $0x7, s2;
	s3 =	sshll.u32 s3, $0x5;
	v2 =	vadd.f32 v2, v3  }
0x276: {  	s2 =	sshll.u32 s2, $0x4;
	s3 =	sadd.s32 $0x20, s3  }
0x277: {  	p0 =	por $0x0, $0x0;
	s2 =	sadd.s32 $0x0, s2;
	s3 =	sor.u32 $0x200, s3;
	[tilespmem:s1+$0x0] =	vst v2  }
0x278: {  	s16 =	sadd.s32 $0x30, s2;
	s2 =	sadd.s32 $0x10, s2;
	s1 =	simm.s32 $0x1;
	v7 =	vld [tilespmem:s3+$0x4000]  }
0x279: {  	s2 =	sor.u32 $0x200, s2;
	s1 =	simm.s32 @!p0 $0x0;
	v2 =	vld [tilespmem:s6+$0x0]  }
0x27a: {  	s3 =	sor.u32 $0x200, s16;
	v6 =	vld [tilespmem:s2+$0x4000];
	s1 =	sshll.u32 s1, $0x6  }
0x27b: {  	s7 =	simm.s32 $0x4240;
	s20 =	simm.s32 $0x2;
	v3 =	vld [tilespmem:s3+$0x4000];
	s1 =	sadd.s32 $0x0, s1  }
0x27c: {  	s31 =	simm.s32 $0x220;
	v5 =	vld [tilespmem:s6+$0xFFFFFFD0];
	s2 =	simm.s32 $0x4;
	s1 =	sor.u32 $0x200, s1  }
0x27d: {  	s29 =	sadd.s32 $0x40, s6;
	s22 =	sand.u32 $0x3, s20;
	s15 =	sand.u32 $0x7, s2;
	v4 =	vld [tilespmem:s1+$0x4000]  }
0x27e: {  	p0 =	por !p0, !p0;
	v8 =	vld [tilespmem:s6+$0xFFFFFFE0];
	s15 =	sshll.u32 s15, $0x4;
	s1 =	sshll.u32 s22, $0x5  }
0x27f: {  	v9 =	vld [tilespmem:s6+$0xFFFFFFF0];
	s3 =	simm.s32 $0x1;
	s15 =	sadd.s32 $0x200, s15;
	s1 =	sadd.s32 $0x220, s1  }
0x280: {  	s24 =	sadd.s32 $0x30, s15;
	s15 =	sadd.s32 $0x10, s15;
	s1 =	sor.u32 $0x200, s1;
	v3 =	vadd.f32 v2, v3  }
0x281: {  	s26 =	simm.s32 $0x4;
	s3 =	simm.s32 @!p0 $0x0;
	s15 =	sor.u32 $0x200, s15;
	v2 =	vld [tilespmem:s1+$0x4000]  }
0x282: {  	s20 =	simm.s32 $0x4;
	s16 =	smov.u32 s6;
	s3 =	sshll.u32 s3, $0x6;
	[tilespmem:s6+$0x0] =	vst v3;
	v3 =	vld [tilespmem:s15+$0x4000];
	v10 =	vadd.f32 v5, v4  }
0x283: {  	p0 =	por !p0, !p0;
	s3 =	sadd.s32 $0x200, s3;
	s1 =	sor.u32 $0x200, s24;
	v4 =	vld [tilespmem:s29+$0x0]  }
0x284: {  	s22 =	simm.s32 $0x200;
	v6 =	vadd.f32 v8, v6;
	v7 =	vadd.f32 v9, v7;
	s24 =	smov.u32 s29;
	v5 =	vld [tilespmem:s1+$0x4000];
	s1 =	sor.u32 $0x200, s3;
	[tilespmem:s6+$0xFFFFFFD0] =	vst v10  }
.LBB2_53:
0x285: {  	s3 =	simm.s32 $0x1;
	s15 =	sand.u32 $0x3, s20  }
0x286: {  	v8 =	vld [tilespmem:s1+$0x4000];
	s31 =	sadd.s32 $0x200, s31;
	[tilespmem:s16+$0xFFFFFFE0] =	vst v6;
	s2 =	sadd.s32 $0x4, s2;
	s3 =	simm.s32 @!p0 $0x0  }
0x287: {  	s26 =	sadd.s32 $0x4, s26;
	s1 =	sshll.u32 s3, $0x6;
	s3 =	sshll.u32 s15, $0x5;
	v6 =	vld [tilespmem:s29+$0xFFFFFFD0];
	[tilespmem:s16+$0xFFFFFFF0] =	vst v7;
	v7 =	vmov v2  }
0x288: {  	s22 =	sadd.s32 $0x200, s22;
	s15 =	sand.u32 $0x7, s2;
	s3 =	sadd.s32 s3, s31;
	v9 =	vld [tilespmem:s29+$0xFFFFFFE0]  }
0x289: {  	p1 =	slt.u32 s26, $0x78;
	s15 =	sshll.u32 s15, $0x4;
	v4 =	vadd.f32 v4, v5;
	s1 =	sadd.s32 s1, s22;
	v10 =	vld [tilespmem:s29+$0xFFFFFFF0]  }
.Ltmp25:
0x28a: {  	s15 =	sadd.s32 s15, s22;
	s3 =	sor.u32 $0x200, s3;
	(pc) =	sbr.rel @p1 .LBB2_53-.Ltmp25, $4  }
0x28b: {  	s29 =	sadd.s32 $0x40, s29;
	s16 =	sadd.s32 $0x10, s15;
	v2 =	vld [tilespmem:s3+$0x4000];
	s3 =	sadd.s32 $0x30, s15;
	[tilespmem:s24+$0x0] =	vst v4  }
0x28c: {  	s1 =	sor.u32 $0x200, s1;
	s15 =	sor.u32 $0x200, s16;
	s3 =	sor.u32 $0x200, s3;
	v4 =	vld [tilespmem:s29+$0x0];
	v8 =	vadd.f32 v6, v8  }
0x28d: {  	s16 =	smov.u32 s24;
	s24 =	smov.u32 s29;
	v5 =	vld [tilespmem:s3+$0x4000];
	v6 =	vadd.f32 v9, v3  }
0x28e: {  	s20 =	sadd.s32 $0x2, s20;
	p0 =	por !p0, !p0;
	s3 =	simm.s32 $0x3E00;
	v3 =	vld [tilespmem:s15+$0x4000];
	[tilespmem:s16+$0xFFFFFFD0] =	vst v8;
	v7 =	vadd.f32 v10, v7  }
0x28f: {  	v8 =	vld [tilespmem:s1+$0x4000]  }
0x290: {  	v9 =	vld [tilespmem:s29+$0xFFFFFFD0]  }
0x291: {  	v10 =	vld [tilespmem:s29+$0xFFFFFFE0]  }
0x292: {  	v11 =	vld [tilespmem:s29+$0xFFFFFFF0];
	_ =	sdelay $0x1  }
0x293: {  	[tilespmem:s16+$0xFFFFFFE0] =	vst v6;
	v4 =	vadd.f32 v4, v5  }
0x294: {  	[tilespmem:s16+$0xFFFFFFF0] =	vst v7;
	v63 =	vadd.f32 v9, v8  }
0x295: {  	[tilespmem:s24+$0x0] =	vst v4;
	v3 =	vadd.f32 v10, v3  }
0x296: {  	v2 =	vadd.f32 v11, v2;
	[tilespmem:s24+$0xFFFFFFD0] =	vst v63  }
0x297: {  	[tilespmem:s24+$0xFFFFFFE0] =	vst v3  }
0x298: {  	[tilespmem:s24+$0xFFFFFFF0] =	vst v2  }
0x299: {  	s1 =	sld [smem:$0x7E8]  }
.LBB2_55:
0x29a: {  	s2 =	sand.u32 $0x3FFFFC00, s3  }
0x29b: {  	v3 =	vld [tilespmem:s1+$0x0];
	s2 =	sadd.s32 s2, s7  }
0x29c: {  	v2 =	vld [tilespmem:s2+$0x0];
	_ =	sdelay $0x1  }
0x29d: {  	p0 =	sne.s32 s3, $0x3F00  }
.Ltmp26:
0x29e: {  	_ = 	snop;
	(pc) =	sbr.rel @p0 .LBB2_55-.Ltmp26, $3  }
0x29f: {  	_ = 	snop  }
0x2a0: {  	v2 =	vadd.f32 v3, v2;
	_ =	sdelay $0x1  }
0x2a1: {  	s3 =	sadd.s32 $0x80, s3;
	s7 =	sadd.s32 $0x10, s7;
	[tilespmem:s1+$0x0] =	vst v2;
	s1 =	sadd.s32 $0x10, s1  }
0x2a2: {  	v2 =	vld [tilespmem:$0x7E70]  }
0x2a3: {  	s1 =	ssub.s32 $0x8FEB, s9  }
0x2a4: {  	v3 =	vld [tilespmem:s1+$0x0];
	_ =	sdelay $0x2  }
0x2a5: {  	s2 =	simm.s32 $0x0;
	v2 =	vmul.f32 v1, v2  }
0x2a6: {  	s3 =	sand.u32 $0x3, s2  }
0x2a7: {  	s2 =	sand.u32 $0x7, s2;
	s3 =	sshll.u32 s3, $0x5;
	v2 =	vadd.f32 v2, v3  }
0x2a8: {  	s2 =	sshll.u32 s2, $0x4;
	s3 =	sadd.s32 $0x20, s3  }
0x2a9: {  	p0 =	por $0x0, $0x0;
	s2 =	sadd.s32 $0x0, s2;
	s3 =	sor.u32 $0x280, s3;
	[tilespmem:s1+$0x0] =	vst v2  }
0x2aa: {  	s16 =	sadd.s32 $0x30, s2;
	s2 =	sadd.s32 $0x10, s2;
	s1 =	simm.s32 $0x1;
	v7 =	vld [tilespmem:s3+$0x4000]  }
0x2ab: {  	s2 =	sor.u32 $0x280, s2;
	s1 =	simm.s32 @!p0 $0x0;
	v2 =	vld [tilespmem:s8+$0x0]  }
0x2ac: {  	s3 =	sor.u32 $0x280, s16;
	v6 =	vld [tilespmem:s2+$0x4000];
	s1 =	sshll.u32 s1, $0x6  }
0x2ad: {  	s7 =	simm.s32 $0x42C0;
	s20 =	simm.s32 $0x2;
	v3 =	vld [tilespmem:s3+$0x4000];
	s1 =	sadd.s32 $0x0, s1  }
0x2ae: {  	s31 =	simm.s32 $0x220;
	v5 =	vld [tilespmem:s8+$0xFFFFFFD0];
	s2 =	simm.s32 $0x4;
	s1 =	sor.u32 $0x280, s1  }
0x2af: {  	s29 =	sadd.s32 $0x40, s8;
	s22 =	sand.u32 $0x3, s20;
	s15 =	sand.u32 $0x7, s2;
	v4 =	vld [tilespmem:s1+$0x4000]  }
0x2b0: {  	p0 =	por !p0, !p0;
	v8 =	vld [tilespmem:s8+$0xFFFFFFE0];
	s15 =	sshll.u32 s15, $0x4;
	s1 =	sshll.u32 s22, $0x5  }
0x2b1: {  	v9 =	vld [tilespmem:s8+$0xFFFFFFF0];
	s3 =	simm.s32 $0x1;
	s15 =	sadd.s32 $0x200, s15;
	s1 =	sadd.s32 $0x220, s1  }
0x2b2: {  	s24 =	sadd.s32 $0x30, s15;
	s15 =	sadd.s32 $0x10, s15;
	s1 =	sor.u32 $0x280, s1;
	v3 =	vadd.f32 v2, v3  }
0x2b3: {  	s26 =	simm.s32 $0x4;
	s3 =	simm.s32 @!p0 $0x0;
	s15 =	sor.u32 $0x280, s15;
	v2 =	vld [tilespmem:s1+$0x4000]  }
0x2b4: {  	s20 =	simm.s32 $0x4;
	s16 =	smov.u32 s8;
	s3 =	sshll.u32 s3, $0x6;
	[tilespmem:s8+$0x0] =	vst v3;
	v3 =	vld [tilespmem:s15+$0x4000];
	v10 =	vadd.f32 v5, v4  }
0x2b5: {  	p0 =	por !p0, !p0;
	s3 =	sadd.s32 $0x200, s3;
	s1 =	sor.u32 $0x280, s24;
	v4 =	vld [tilespmem:s29+$0x0]  }
0x2b6: {  	s22 =	simm.s32 $0x200;
	v6 =	vadd.f32 v8, v6;
	v7 =	vadd.f32 v9, v7;
	s24 =	smov.u32 s29;
	v5 =	vld [tilespmem:s1+$0x4000];
	s1 =	sor.u32 $0x280, s3;
	[tilespmem:s8+$0xFFFFFFD0] =	vst v10  }
.LBB2_57:
0x2b7: {  	s3 =	simm.s32 $0x1;
	s15 =	sand.u32 $0x3, s20  }
0x2b8: {  	v8 =	vld [tilespmem:s1+$0x4000];
	s31 =	sadd.s32 $0x200, s31;
	[tilespmem:s16+$0xFFFFFFE0] =	vst v6;
	s2 =	sadd.s32 $0x4, s2;
	s3 =	simm.s32 @!p0 $0x0  }
0x2b9: {  	s26 =	sadd.s32 $0x4, s26;
	s1 =	sshll.u32 s3, $0x6;
	s3 =	sshll.u32 s15, $0x5;
	v6 =	vld [tilespmem:s29+$0xFFFFFFD0];
	[tilespmem:s16+$0xFFFFFFF0] =	vst v7;
	v7 =	vmov v2  }
0x2ba: {  	s22 =	sadd.s32 $0x200, s22;
	s15 =	sand.u32 $0x7, s2;
	s3 =	sadd.s32 s3, s31;
	v9 =	vld [tilespmem:s29+$0xFFFFFFE0]  }
0x2bb: {  	p1 =	slt.u32 s26, $0x78;
	s15 =	sshll.u32 s15, $0x4;
	v4 =	vadd.f32 v4, v5;
	s1 =	sadd.s32 s1, s22;
	v10 =	vld [tilespmem:s29+$0xFFFFFFF0]  }
.Ltmp27:
0x2bc: {  	s15 =	sadd.s32 s15, s22;
	s3 =	sor.u32 $0x280, s3;
	(pc) =	sbr.rel @p1 .LBB2_57-.Ltmp27, $4  }
0x2bd: {  	s29 =	sadd.s32 $0x40, s29;
	s16 =	sadd.s32 $0x10, s15;
	v2 =	vld [tilespmem:s3+$0x4000];
	s3 =	sadd.s32 $0x30, s15;
	[tilespmem:s24+$0x0] =	vst v4  }
0x2be: {  	s1 =	sor.u32 $0x280, s1;
	s15 =	sor.u32 $0x280, s16;
	s3 =	sor.u32 $0x280, s3;
	v4 =	vld [tilespmem:s29+$0x0];
	v8 =	vadd.f32 v6, v8  }
0x2bf: {  	s16 =	smov.u32 s24;
	s24 =	smov.u32 s29;
	v5 =	vld [tilespmem:s3+$0x4000];
	v6 =	vadd.f32 v9, v3  }
0x2c0: {  	s20 =	sadd.s32 $0x2, s20;
	p0 =	por !p0, !p0;
	s3 =	simm.s32 $0x3E00;
	v3 =	vld [tilespmem:s15+$0x4000];
	[tilespmem:s16+$0xFFFFFFD0] =	vst v8;
	v7 =	vadd.f32 v10, v7  }
0x2c1: {  	v8 =	vld [tilespmem:s1+$0x4000]  }
0x2c2: {  	v9 =	vld [tilespmem:s29+$0xFFFFFFD0]  }
0x2c3: {  	v10 =	vld [tilespmem:s29+$0xFFFFFFE0]  }
0x2c4: {  	v11 =	vld [tilespmem:s29+$0xFFFFFFF0];
	_ =	sdelay $0x1  }
0x2c5: {  	[tilespmem:s16+$0xFFFFFFE0] =	vst v6;
	v4 =	vadd.f32 v4, v5  }
0x2c6: {  	[tilespmem:s16+$0xFFFFFFF0] =	vst v7;
	v63 =	vadd.f32 v9, v8  }
0x2c7: {  	[tilespmem:s24+$0x0] =	vst v4;
	v3 =	vadd.f32 v10, v3  }
0x2c8: {  	v2 =	vadd.f32 v11, v2;
	[tilespmem:s24+$0xFFFFFFD0] =	vst v63  }
0x2c9: {  	[tilespmem:s24+$0xFFFFFFE0] =	vst v3  }
0x2ca: {  	[tilespmem:s24+$0xFFFFFFF0] =	vst v2  }
0x2cb: {  	s1 =	sld [smem:$0x7E7]  }
.LBB2_59:
0x2cc: {  	s2 =	sand.u32 $0x3FFFFC00, s3  }
0x2cd: {  	v3 =	vld [tilespmem:s1+$0x0];
	s2 =	sadd.s32 s2, s7  }
0x2ce: {  	v2 =	vld [tilespmem:s2+$0x0];
	_ =	sdelay $0x1  }
0x2cf: {  	p0 =	sne.s32 s3, $0x3F00  }
.Ltmp28:
0x2d0: {  	_ = 	snop;
	(pc) =	sbr.rel @p0 .LBB2_59-.Ltmp28, $3  }
0x2d1: {  	_ = 	snop  }
0x2d2: {  	v2 =	vadd.f32 v3, v2;
	_ =	sdelay $0x1  }
0x2d3: {  	s3 =	sadd.s32 $0x80, s3;
	s7 =	sadd.s32 $0x10, s7;
	[tilespmem:s1+$0x0] =	vst v2;
	s1 =	sadd.s32 $0x10, s1  }
0x2d4: {  	v2 =	vld [tilespmem:$0x7EF0]  }
0x2d5: {  	s1 =	ssub.s32 $0x8FEA, s9  }
0x2d6: {  	v3 =	vld [tilespmem:s1+$0x0];
	_ =	sdelay $0x2  }
0x2d7: {  	s2 =	simm.s32 $0x0;
	v2 =	vmul.f32 v1, v2  }
0x2d8: {  	s3 =	sand.u32 $0x3, s2  }
0x2d9: {  	s2 =	sand.u32 $0x7, s2;
	s3 =	sshll.u32 s3, $0x5;
	v2 =	vadd.f32 v2, v3  }
0x2da: {  	s2 =	sshll.u32 s2, $0x4;
	s3 =	sadd.s32 $0x20, s3  }
0x2db: {  	p0 =	por $0x0, $0x0;
	s2 =	sadd.s32 $0x0, s2;
	s3 =	sor.u32 $0x300, s3;
	[tilespmem:s1+$0x0] =	vst v2  }
0x2dc: {  	s16 =	sadd.s32 $0x30, s2;
	s2 =	sadd.s32 $0x10, s2;
	s1 =	simm.s32 $0x1;
	v7 =	vld [tilespmem:s3+$0x4000]  }
0x2dd: {  	s2 =	sor.u32 $0x300, s2;
	s1 =	simm.s32 @!p0 $0x0;
	v2 =	vld [tilespmem:s10+$0x0]  }
0x2de: {  	s3 =	sor.u32 $0x300, s16;
	v6 =	vld [tilespmem:s2+$0x4000];
	s1 =	sshll.u32 s1, $0x6  }
0x2df: {  	s7 =	simm.s32 $0x4340;
	s20 =	simm.s32 $0x2;
	v3 =	vld [tilespmem:s3+$0x4000];
	s1 =	sadd.s32 $0x0, s1  }
0x2e0: {  	s31 =	simm.s32 $0x220;
	v5 =	vld [tilespmem:s10+$0xFFFFFFD0];
	s2 =	simm.s32 $0x4;
	s1 =	sor.u32 $0x300, s1  }
0x2e1: {  	s29 =	sadd.s32 $0x40, s10;
	s22 =	sand.u32 $0x3, s20;
	s15 =	sand.u32 $0x7, s2;
	v4 =	vld [tilespmem:s1+$0x4000]  }
0x2e2: {  	p0 =	por !p0, !p0;
	v8 =	vld [tilespmem:s10+$0xFFFFFFE0];
	s15 =	sshll.u32 s15, $0x4;
	s1 =	sshll.u32 s22, $0x5  }
0x2e3: {  	v9 =	vld [tilespmem:s10+$0xFFFFFFF0];
	s3 =	simm.s32 $0x1;
	s15 =	sadd.s32 $0x200, s15;
	s1 =	sadd.s32 $0x220, s1  }
0x2e4: {  	s24 =	sadd.s32 $0x30, s15;
	s15 =	sadd.s32 $0x10, s15;
	s1 =	sor.u32 $0x300, s1;
	v3 =	vadd.f32 v2, v3  }
0x2e5: {  	s26 =	simm.s32 $0x4;
	s3 =	simm.s32 @!p0 $0x0;
	s15 =	sor.u32 $0x300, s15;
	v2 =	vld [tilespmem:s1+$0x4000]  }
0x2e6: {  	s20 =	simm.s32 $0x4;
	s16 =	smov.u32 s10;
	s3 =	sshll.u32 s3, $0x6;
	[tilespmem:s10+$0x0] =	vst v3;
	v3 =	vld [tilespmem:s15+$0x4000];
	v10 =	vadd.f32 v5, v4  }
0x2e7: {  	p0 =	por !p0, !p0;
	s3 =	sadd.s32 $0x200, s3;
	s1 =	sor.u32 $0x300, s24;
	v4 =	vld [tilespmem:s29+$0x0]  }
0x2e8: {  	s22 =	simm.s32 $0x200;
	v6 =	vadd.f32 v8, v6;
	v7 =	vadd.f32 v9, v7;
	s24 =	smov.u32 s29;
	v5 =	vld [tilespmem:s1+$0x4000];
	s1 =	sor.u32 $0x300, s3;
	[tilespmem:s10+$0xFFFFFFD0] =	vst v10  }
.LBB2_61:
0x2e9: {  	s3 =	simm.s32 $0x1;
	s15 =	sand.u32 $0x3, s20  }
0x2ea: {  	v8 =	vld [tilespmem:s1+$0x4000];
	s31 =	sadd.s32 $0x200, s31;
	[tilespmem:s16+$0xFFFFFFE0] =	vst v6;
	s2 =	sadd.s32 $0x4, s2;
	s3 =	simm.s32 @!p0 $0x0  }
0x2eb: {  	s26 =	sadd.s32 $0x4, s26;
	s1 =	sshll.u32 s3, $0x6;
	s3 =	sshll.u32 s15, $0x5;
	v6 =	vld [tilespmem:s29+$0xFFFFFFD0];
	[tilespmem:s16+$0xFFFFFFF0] =	vst v7;
	v7 =	vmov v2  }
0x2ec: {  	s22 =	sadd.s32 $0x200, s22;
	s15 =	sand.u32 $0x7, s2;
	s3 =	sadd.s32 s3, s31;
	v9 =	vld [tilespmem:s29+$0xFFFFFFE0]  }
0x2ed: {  	p1 =	slt.u32 s26, $0x78;
	s15 =	sshll.u32 s15, $0x4;
	v4 =	vadd.f32 v4, v5;
	s1 =	sadd.s32 s1, s22;
	v10 =	vld [tilespmem:s29+$0xFFFFFFF0]  }
.Ltmp29:
0x2ee: {  	s15 =	sadd.s32 s15, s22;
	s3 =	sor.u32 $0x300, s3;
	(pc) =	sbr.rel @p1 .LBB2_61-.Ltmp29, $4  }
0x2ef: {  	s29 =	sadd.s32 $0x40, s29;
	s16 =	sadd.s32 $0x10, s15;
	v2 =	vld [tilespmem:s3+$0x4000];
	s3 =	sadd.s32 $0x30, s15;
	[tilespmem:s24+$0x0] =	vst v4  }
0x2f0: {  	s1 =	sor.u32 $0x300, s1;
	s15 =	sor.u32 $0x300, s16;
	s3 =	sor.u32 $0x300, s3;
	v4 =	vld [tilespmem:s29+$0x0];
	v8 =	vadd.f32 v6, v8  }
0x2f1: {  	s16 =	smov.u32 s24;
	s24 =	smov.u32 s29;
	v5 =	vld [tilespmem:s3+$0x4000];
	v6 =	vadd.f32 v9, v3  }
0x2f2: {  	s20 =	sadd.s32 $0x2, s20;
	p0 =	por !p0, !p0;
	s3 =	simm.s32 $0x3E00;
	v3 =	vld [tilespmem:s15+$0x4000];
	[tilespmem:s16+$0xFFFFFFD0] =	vst v8;
	v7 =	vadd.f32 v10, v7  }
0x2f3: {  	v8 =	vld [tilespmem:s1+$0x4000]  }
0x2f4: {  	v9 =	vld [tilespmem:s29+$0xFFFFFFD0]  }
0x2f5: {  	v10 =	vld [tilespmem:s29+$0xFFFFFFE0]  }
0x2f6: {  	v11 =	vld [tilespmem:s29+$0xFFFFFFF0];
	_ =	sdelay $0x1  }
0x2f7: {  	[tilespmem:s16+$0xFFFFFFE0] =	vst v6;
	v4 =	vadd.f32 v4, v5  }
0x2f8: {  	[tilespmem:s16+$0xFFFFFFF0] =	vst v7;
	v63 =	vadd.f32 v9, v8  }
0x2f9: {  	[tilespmem:s24+$0x0] =	vst v4;
	v3 =	vadd.f32 v10, v3  }
0x2fa: {  	v2 =	vadd.f32 v11, v2;
	[tilespmem:s24+$0xFFFFFFD0] =	vst v63  }
0x2fb: {  	[tilespmem:s24+$0xFFFFFFE0] =	vst v3  }
0x2fc: {  	[tilespmem:s24+$0xFFFFFFF0] =	vst v2  }
0x2fd: {  	s31 =	sld [smem:$0x7E3];
	_ =	sdelay $0x2  }
0x2fe: {  	s1 =	smov.u32 s31  }
.LBB2_63:
0x2ff: {  	s2 =	sand.u32 $0x3FFFFC00, s3  }
0x300: {  	v3 =	vld [tilespmem:s1+$0x0];
	s2 =	sadd.s32 s2, s7  }
0x301: {  	v2 =	vld [tilespmem:s2+$0x0];
	_ =	sdelay $0x1  }
0x302: {  	p0 =	sne.s32 s3, $0x3F00  }
.Ltmp30:
0x303: {  	_ = 	snop;
	(pc) =	sbr.rel @p0 .LBB2_63-.Ltmp30, $3  }
0x304: {  	_ = 	snop  }
0x305: {  	v2 =	vadd.f32 v3, v2;
	_ =	sdelay $0x1  }
0x306: {  	s3 =	sadd.s32 $0x80, s3;
	s7 =	sadd.s32 $0x10, s7;
	[tilespmem:s1+$0x0] =	vst v2;
	s1 =	sadd.s32 $0x10, s1  }
0x307: {  	v2 =	vld [tilespmem:$0x7F70]  }
0x308: {  	s1 =	ssub.s32 $0x8FE9, s9  }
0x309: {  	v3 =	vld [tilespmem:s1+$0x0];
	_ =	sdelay $0x2  }
0x30a: {  	s2 =	simm.s32 $0x0;
	v2 =	vmul.f32 v1, v2  }
0x30b: {  	p0 =	por $0x0, $0x0;
	s3 =	simm.s32 $0x1;
	s7 =	sand.u32 $0x3, s2  }
0x30c: {  	s3 =	simm.s32 @!p0 $0x0;
	s2 =	sand.u32 $0x7, s2;
	s7 =	sshll.u32 s7, $0x5;
	v2 =	vadd.f32 v2, v3  }
0x30d: {  	s3 =	sshll.u32 s3, $0x6;
	s2 =	sshll.u32 s2, $0x4;
	s7 =	sadd.s32 $0x20, s7  }
0x30e: {  	s24 =	sadd.s32 $0x0, s3;
	s2 =	sadd.s32 $0x0, s2;
	s26 =	sor.u32 $0x380, s7;
	[tilespmem:s1+$0x0] =	vst v2  }
0x30f: {  	s7 =	sadd.s32 $0x30, s2;
	s1 =	sor.u32 $0x380, s24;
	v5 =	vld [tilespmem:s26+$0x4000]  }
0x310: {  	s16 =	sld [smem:$0x7E6];
	s2 =	sadd.s32 $0x10, s2;
	s15 =	sor.u32 $0x380, s7;
	v3 =	vld [tilespmem:s1+$0x4000]  }
0x311: {  	s2 =	sor.u32 $0x380, s2;
	v4 =	vld [tilespmem:s15+$0x4000]  }
0x312: {  	s20 =	simm.s32 $0x2;
	p0 =	por !p0, !p0;
	v6 =	vld [tilespmem:s2+$0x4000]  }
0x313: {  	p1 =	seq.s32 s16, $0xFE;
	s7 =	simm.s32 $0x4;
	s1 =	simm.f32 $0.0e+00;
	v7 =	vld [tilespmem:s12+$0x0]  }
0x314: {  	s24 =	sand.u32 $0x7, s7;
	s2 =	sand.u32 $0x3, s20;
	v8 =	vld [tilespmem:s12+$0xFFFFFFD0];
	s1 =	simm.s32 @!p1 $0x3F800000  }
0x315: {  	s3 =	simm.s32 $0x1;
	v9 =	vld [tilespmem:s12+$0xFFFFFFE0];
	s22 =	sshll.u32 s2, $0x5;
	s2 =	sshll.u32 s24, $0x4;
	v2 =	vmov s1  }
0x316: {  	s3 =	simm.s32 @!p0 $0x0;
	v10 =	vld [tilespmem:s12+$0xFFFFFFF0];
	s1 =	sadd.s32 $0x220, s22;
	s2 =	sadd.s32 $0x200, s2;
	v4 =	vmul.f32 v4, v2  }
0x317: {  	s3 =	sshll.u32 s3, $0x6;
	s1 =	sor.u32 $0x380, s1;
	s26 =	sadd.s32 $0x30, s2;
	v11 =	vmul.f32 v3, v2  }
0x318: {  	s29 =	simm.s32 $0x220;
	s3 =	sadd.s32 $0x200, s3;
	v3 =	vld [tilespmem:s1+$0x4000];
	s1 =	sor.u32 $0x380, s26;
	v7 =	vadd.f32 v4, v7  }
0x319: {  	p0 =	por !p0, !p0;
	s3 =	sor.u32 $0x380, s3;
	s2 =	sadd.s32 $0x10, s2;
	v12 =	vmul.f32 v6, v2;
	v6 =	vld [tilespmem:s1+$0x4000];
	v8 =	vadd.f32 v11, v8;
	v11 =	vmul.f32 v5, v2  }
0x31a: {  	s20 =	smov.u32 s12;
	s24 =	simm.s32 $0x4;
	s2 =	sor.u32 $0x380, s2;
	v4 =	vld [tilespmem:s3+$0x4000];
	[tilespmem:s12+$0x0] =	vst v7  }
0x31b: {  	s22 =	simm.s32 $0x200;
	s26 =	simm.s32 $0x4;
	v5 =	vld [tilespmem:s2+$0x4000];
	s2 =	sadd.s32 $0x40, s12;
	v7 =	vadd.f32 v12, v9;
	[tilespmem:s12+$0xFFFFFFD0] =	vst v8;
	v8 =	vadd.f32 v11, v10  }
.LBB2_65:
0x31c: {  	s1 =	simm.s32 $0x1;
	s3 =	sand.u32 $0x3, s24  }
0x31d: {  	v9 =	vld [tilespmem:s2+$0x0];
	s29 =	sadd.s32 $0x200, s29;
	[tilespmem:s20+$0xFFFFFFE0] =	vst v7;
	s7 =	sadd.s32 $0x4, s7;
	s1 =	simm.s32 @!p0 $0x0  }
0x31e: {  	s26 =	sadd.s32 $0x4, s26;
	s3 =	sshll.u32 s3, $0x5;
	s1 =	sshll.u32 s1, $0x6;
	v7 =	vld [tilespmem:s2+$0xFFFFFFD0];
	[tilespmem:s20+$0xFFFFFFF0] =	vst v8;
	v8 =	vmov v3  }
0x31f: {  	s22 =	sadd.s32 $0x200, s22;
	s15 =	sand.u32 $0x7, s7;
	s3 =	sadd.s32 s3, s29;
	v10 =	vmul.f32 v4, v2;
	v11 =	vld [tilespmem:s2+$0xFFFFFFE0]  }
0x320: {  	p1 =	slt.u32 s26, $0x78;
	s15 =	sshll.u32 s15, $0x4;
	v4 =	vmul.f32 v6, v2;
	s1 =	sadd.s32 s1, s22;
	v12 =	vld [tilespmem:s2+$0xFFFFFFF0]  }
.Ltmp31:
0x321: {  	s15 =	sadd.s32 s15, s22;
	s3 =	sor.u32 $0x380, s3;
	v5 =	vmul.f32 v5, v2;
	(pc) =	sbr.rel @p1 .LBB2_65-.Ltmp31, $4  }
0x322: {  	s1 =	sor.u32 $0x380, s1;
	s16 =	sadd.s32 $0x10, s15;
	v9 =	vadd.f32 v4, v9;
	v3 =	vld [tilespmem:s3+$0x4000];
	s3 =	sadd.s32 $0x30, s15  }
0x323: {  	s20 =	smov.u32 s2;
	v8 =	vmul.f32 v8, v2;
	v4 =	vld [tilespmem:s1+$0x4000];
	s1 =	sor.u32 $0x380, s16;
	s3 =	sor.u32 $0x380, s3;
	v10 =	vadd.f32 v10, v7  }
0x324: {  	v6 =	vld [tilespmem:s3+$0x4000];
	v7 =	vadd.f32 v5, v11;
	[tilespmem:s2+$0x0] =	vst v9  }
0x325: {  	s24 =	sadd.s32 $0x2, s24;
	p0 =	por !p0, !p0;
	s2 =	sadd.s32 $0x40, s2;
	v5 =	vld [tilespmem:s1+$0x4000];
	[tilespmem:s20+$0xFFFFFFD0] =	vst v10;
	v8 =	vadd.f32 v8, v12  }
0x326: {  	v9 =	vld [tilespmem:s2+$0x0]  }
0x327: {  	v10 =	vld [tilespmem:s2+$0xFFFFFFD0]  }
0x328: {  	v12 =	vld [tilespmem:s2+$0xFFFFFFF0]  }
0x329: {  	v11 =	vld [tilespmem:s2+$0xFFFFFFE0];
	v6 =	vmul.f32 v6, v2  }
0x32a: {  	v4 =	vmul.f32 v4, v2  }
0x32b: {  	[tilespmem:s20+$0xFFFFFFE0] =	vst v7;
	v3 =	vmul.f32 v3, v2;
	v6 =	vadd.f32 v6, v9  }
0x32c: {  	[tilespmem:s20+$0xFFFFFFF0] =	vst v8;
	v5 =	vmul.f32 v5, v2;
	v4 =	vadd.f32 v4, v10  }
0x32d: {  	v3 =	vadd.f32 v3, v12;
	[tilespmem:s2+$0x0] =	vst v6  }
0x32e: {  	v5 =	vadd.f32 v5, v11;
	[tilespmem:s2+$0xFFFFFFD0] =	vst v4  }
0x32f: {  	[tilespmem:s2+$0xFFFFFFF0] =	vst v3  }
0x330: {  	[tilespmem:s2+$0xFFFFFFE0] =	vst v5  }
0x331: {  	s15 =	sld [smem:$0x7E4];
	_ =	sdelay $0x2  }
0x332: {  	s1 =	simm.s32 $0x40;
	s3 =	simm.s32 $0x3E40;
	s2 =	smov.u32 s15  }
.LBB2_67:
0x333: {  	s7 =	sor.u32 $0x380, s3  }
0x334: {  	v3 =	vld [tilespmem:s7+$0x4000];
	_ =	sdelay $0x1  }
0x335: {  	v4 =	vld [tilespmem:s2+$0x0];
	_ =	sdelay $0x1  }
0x336: {  	p0 =	sne.s32 s1, $0x60  }
.Ltmp32:
0x337: {  	v3 =	vmul.f32 v3, v2;
	(pc) =	sbr.rel @p0 .LBB2_67-.Ltmp32, $3  }
0x338: {  	_ = 	snop  }
0x339: {  	v3 =	vadd.f32 v3, v4;
	_ =	sdelay $0x1  }
0x33a: {  	s3 =	sadd.s32 $0x90, s3;
	s1 =	sadd.s32 $0x10, s1;
	[tilespmem:s2+$0x0] =	vst v3;
	s2 =	sadd.s32 $0x10, s2  }
0x33b: {  	s2 =	sld [smem:$0x7F3]  }
0x33c: {  	s24 =	sld [smem:$0x7F2]  }
0x33d: {  	s26 =	sld [smem:$0x7F1]  }
0x33e: {  	s29 =	sld [smem:$0x7F0]  }
0x33f: {  	s3 =	sld [smem:$0x7EF]  }
0x340: {  	s7 =	sld [smem:$0x7EE]  }
0x341: {  	s1 =	ssub.s32 $0x8FE8, s9;
	s9 =	sld [smem:$0x7ED]  }
0x342: {  	s16 =	sld [smem:$0x7EC]  }
0x343: {  	s11 =	sadd.s32 $0x1, s11;
	s20 =	sld [smem:$0x7EB]  }
0x344: {  	s13 =	sadd.s32 $0xFFFFFFF0, s13;
	s22 =	sld [smem:$0x7EA];
	s2 =	sadd.s32 $0xFFFFFFF0, s2  }
0x345: {  	s19 =	sadd.s32 $0xFFFFFFF0, s19;
	s17 =	sadd.s32 $0xFFFFFFF0, s17;
	[smem:$0x7F3] =	sst s2  }
0x346: {  	s14 =	sadd.s32 $0xFFFFFFF0, s14;
	s2 =	sadd.s32 $0xFFFFFFF0, s24;
	s24 =	sld [smem:$0x7E9]  }
0x347: {  	s4 =	sadd.s32 $0xFFFFFFF0, s4;
	s5 =	sadd.s32 $0xFFFFFFF0, s5;
	[smem:$0x7F2] =	sst s2  }
0x348: {  	s18 =	sadd.s32 $0xFFFFFFF0, s18;
	s2 =	sadd.s32 $0xFFFFFFF0, s26;
	s26 =	sld [smem:$0x7E8]  }
0x349: {  	v3 =	vld [tilespmem:$0x7FF0];
	s21 =	sadd.s32 $0xFFFFFFF0, s21;
	s23 =	sadd.s32 $0xFFFFFFF0, s23;
	[smem:$0x7F1] =	sst s2  }
0x34a: {  	s25 =	sadd.s32 $0xFFFFFFF0, s25;
	s2 =	sadd.s32 $0xFFFFFFF0, s29;
	s29 =	sld [smem:$0x7E7]  }
0x34b: {  	s28 =	sadd.s32 $0xFFFFFFF0, s28;
	[smem:$0x7F0] =	sst s2;
	s2 =	sadd.s32 $0xFFFFFFF0, s3  }
0x34c: {  	s30 =	sadd.s32 $0xFFFFFFF0, s30;
	[smem:$0x7EF] =	sst s2;
	s2 =	sadd.s32 $0xFFFFFFF0, s7  }
0x34d: {  	s0 =	sadd.s32 $0xFFFFFFF0, s0;
	v4 =	vld [tilespmem:s1+$0x0];
	[smem:$0x7EE] =	sst s2;
	s2 =	sadd.s32 $0xFFFFFFF0, s9  }
0x34e: {  	s6 =	sadd.s32 $0xFFFFFFF0, s6;
	v3 =	vmul.f32 v1, v3;
	[smem:$0x7ED] =	sst s2;
	s2 =	sadd.s32 $0xFFFFFFF0, s16  }
0x34f: {  	p0 =	sne.s32 s11, $0x10;
	[smem:$0x7EC] =	sst s2;
	s2 =	sadd.s32 $0xFFFFFFF0, s20  }
.Ltmp33:
0x350: {  	v2 =	vmul.f32 v3, v2;
	[smem:$0x7EB] =	sst s2;
	s2 =	sadd.s32 $0xFFFFFFF0, s22;
	(pc) =	sbr.rel @p0 .LBB2_4-.Ltmp33, $4  }
0x351: {  	s8 =	sadd.s32 $0xFFFFFFF0, s8;
	[smem:$0x7EA] =	sst s2;
	s2 =	sadd.s32 $0xFFFFFFF0, s24  }
0x352: {  	s10 =	sadd.s32 $0xFFFFFFF0, s10;
	v2 =	vadd.f32 v2, v4;
	[smem:$0x7E9] =	sst s2;
	s2 =	sadd.s32 $0xFFFFFFF0, s26  }
0x353: {  	s31 =	sadd.s32 $0xFFFFFFF0, s31;
	[smem:$0x7E8] =	sst s2;
	s2 =	sadd.s32 $0xFFFFFFF0, s29  }
0x354: {  	s12 =	sadd.s32 $0xFFFFFFF0, s12;
	s15 =	sadd.s32 $0xFFFFFFF0, s15;
	[tilespmem:s1+$0x0] =	vst v2;
	[smem:$0x7E7] =	sst s2  }
0x355: {  	s0 =	rddreg [dreg:$0x7];
	s1 =	simm.s32 $0x80  }
0x356: {  	s2 =	simm.s32 $0x400;
	s3 =	simm.s32 $0x8000;
	s30 =	simm.s32 $0x3  }
0x357: {  	[hbm4b:s0+s1] =	stream.strided.scatter [tilespmem:s3], [sflag:$0x3], $0x1000, s2, s1, $0x38;
	[tilespmem:$0x9000] =	vst v63  }
0x358: {  	_ =	swait.ge [sflag:s30], $0x1000  }
0x359: {  	s7 =	rddreg [dreg:$0x3]  }
0x35a: {  	s31 =	rddreg [dreg:$0x8];
	s7 =	sadd.s32 $0x1, s7  }
0x35b: {  	p0 =	sne.s32 s7, s31  }
.Ltmp34:
0x35c: {  	_ = 	snop;
	(pc) =	sbr.rel @p0 .LBB2_1-.Ltmp34, $3  }
0x35d: {  	_ =	sdelay $0x1  }
0x35e: {  	[sflag:s30] =	ssyncset.done $0x0  }
0x35f: {  	[sflag:s30] =	ssyncadd.s32 $0xFFFFF000  }
0x360: {  	_ =	sfence.sel $0x180000  }
0x361: {  	[bflag:$0x0] =	sbarrier.arrive $0xFFFF  }
0x362: {  	_ =	strace $0x90000047  }
0x363: {  	s0 =	stileid.u32;
	[bflag:$0x2] =	sbarrier.arrive $0xFFFF  }
0x364: {  	p0 =	sne.s32 s0, $0x0;
	s0 =	rddreg [dreg:$0x2]  }
0x365: {  	s0 =	sadd.s32 @!p0 $0x100000, s0  }
0x366: {  	[sflag:s0] =	ssyncadd.tile.s32 @!p0 $0x1;
	_ =	shalt  }
.Lfunc_end2:
_tile_overlayer_lowered:
.L_overlay_start_2:
0x367: {  	(tag) =	ssettag $0x2  }
0x368: {  	s0 =	rddreg [dreg:$0x0];
	s2 =	stileid.u32  }
0x369: {  	s1 =	rddreg [dreg:$0x1];
	p0 =	sne.s32 s2, $0x0  }
0x36a: {  	s3 =	rddreg [dreg:$0x2];
	[bflag:$0x3] =	sbarrier.arrive $0xFFFF;
	s2 =	simm.s32 @!p0 $0x1C03  }
0x36b: {  	[timem:s3], [sflag:s2] =	dma.local @!p0 [hbm:s0], s1  }
0x36c: {  	s0 =	simm.s32 @!p0 $0x3  }
0x36d: {  	_ =	swait.ge @!p0 [sflag:s0], s1  }
0x36e: {  	s1 =	ssub.s32 @!p0 $0x0, s1;
	[sflag:s0] =	ssyncset.done @!p0 $0x0  }
0x36f: {  	[sflag:s0] =	ssyncadd.s32 @!p0 s1  }
0x370: {  	[bflag:$0x3] =	sbarrier.arrive $0xFFFF  }
0x371: {  	_ =	shalt  }

</sc_bundles>
